<compile_context>
chip_gen: v7x
topology: tpu7x:2x2x1
jax: 0.10.2.dev20260603
libtpu: 0.0.44.dev20260713+nightly
codegen_flags: <defaults>
</compile_context>

<pallas_src>
import functools

import jax
import jax.numpy as jnp
from jax import lax
from jax.experimental import pallas as pl
from jax.experimental.pallas import tpu as pltpu
from jax.experimental.pallas import tpu_sc as plsc

_NUM_VQ = 4
_VOCAB = 626
_D = 768


def _sum_tables_body(emb_ref, out_ref):
    out_ref[...] = ((emb_ref[:, 0, :] + emb_ref[:, 1, :])
                    + (emb_ref[:, 2, :] + emb_ref[:, 3, :]))


def _sum_tables(emb_code):
    tt = jnp.transpose(emb_code, (1, 0, 2))
    return pl.pallas_call(
        _sum_tables_body,
        out_shape=jax.ShapeDtypeStruct((_VOCAB, _D), jnp.float32),
    )(tt)


@functools.lru_cache(maxsize=None)
def _make_gather(BB, T):
    info = plsc.get_sparse_core_info()
    NC, NS = info.num_cores, info.num_subcores
    NW = NC * NS
    B = BB * T
    assert B % (8 * NW) == 0
    b_per_w = B // NW
    w_per_row = T // b_per_w
    C = 32
    NBUF = 5
    n_chunks = b_per_w // C
    mesh = plsc.VectorSubcoreMesh(core_axis_name="c", subcore_axis_name="s")

    @functools.partial(
        pl.kernel,
        mesh=mesh,
        out_type=jax.ShapeDtypeStruct((B, _D), jnp.float32),
        scratch_types=[
            pltpu.VMEM((b_per_w,), jnp.int32),
            pltpu.VMEM((NBUF, C, _D), jnp.float32),
        ] + [pltpu.SemaphoreType.DMA] * (2 * NBUF),
    )
    def gather_kernel(table_hbm, idx_hbm, out_hbm, idx_v, rows_v, *sems):
        sem_g, sem_s = sems[:NBUF], sems[NBUF:]
        wid = lax.axis_index("c") * NS + lax.axis_index("s")
        base = wid * b_per_w
        pltpu.sync_copy(
            idx_hbm.at[wid // w_per_row,
                       pl.ds((wid % w_per_row) * b_per_w, b_per_w)], idx_v)

        def start_gather(g):
            return pltpu.async_copy(
                table_hbm.at[idx_v.at[pl.ds(g * C, C)]],
                rows_v.at[g % NBUF], sem_g[g % NBUF])

        gathers = [None] * n_chunks
        stores = [None] * n_chunks
        for g in range(NBUF - 1):
            gathers[g] = start_gather(g)
        for g in range(n_chunks):
            b = g % NBUF
            gathers[g].wait()
            stores[g] = pltpu.async_copy(
                rows_v.at[b], out_hbm.at[pl.ds(base + g * C, C)], sem_s[b])
            nxt = g + NBUF - 1
            if nxt < n_chunks:
                if g >= 1:
                    stores[g - 1].wait()
                gathers[nxt] = start_gather(nxt)
        for g in range(max(0, n_chunks - NBUF), n_chunks):
            stores[g].wait()

    return gather_kernel


def kernel(input_ids, emb_code):
    B, T = input_ids.shape
    table = _sum_tables(emb_code)
    out = _make_gather(B, T)(table, input_ids.astype(jnp.int32))
    return out.reshape(B, T, _D)

# --- scband reference (transcript-rebuilt; emitter-appended) ---
"""Pipeline reference for scband-embedding-code-56856777064622 (READ-ONLY COPY).

The authoritative reference and input builder live on the scoring server;
editing this copy changes nothing except your own understanding.
"""

import jax, jax.numpy as jnp
import numpy as np

NUM_VQ = 4
VOCAB = 626
D_MODEL = 768
B = 4
T = 2048

def setup_inputs(seed: int = 0) -> dict:
    key = jax.random.key(seed)
    k1, k2 = jax.random.split(key)
    input_ids = jax.random.randint(k1, (B, T), 0, VOCAB, dtype=jnp.int64) if jax.config.jax_enable_x64 else jax.random.randint(k1, (B, T), 0, VOCAB, dtype=jnp.int32)
    emb_code = jax.random.normal(k2, (NUM_VQ, VOCAB, D_MODEL), dtype=jnp.float32) * 0.02
    return {"input_ids": input_ids, "emb_code": emb_code}

def reference(input_ids, emb_code):
    # input_ids: [B, T] int; emb_code: [NUM_VQ, VOCAB, D_MODEL] float32
    # Original: input_ids.unsqueeze(2).expand(-1,-1,num_vq); per-vq embedding lookup
    # with the SAME ids for each vq table, then stack over vq and sum.
    num_vq = emb_code.shape[0]
    code_emb = [jnp.take(emb_code[i], input_ids, axis=0) for i in range(num_vq)]  # each [B, T, D]
    return jnp.stack(code_emb, axis=2).sum(axis=2)  # [B, T, D]

if __name__ == "__main__":
    import jax
    _d = setup_inputs()
    print(jax.jit(kernel)(*tuple(_d.values())))

</pallas_src>

<mosaic_0001>
#map = affine_map<(d0, d1) -> (0, 0)>
module attributes {stable_mosaic.version = 14 : i64} {
  func.func @gather_kernel(%arg0: i32, %arg1: i32, %arg2: memref<626x768xf32, #tpu.memory_space<hbm>>, %arg3: memref<4x2048xi32, #tpu.memory_space<hbm>>, %arg4: memref<8192x768xf32, #tpu.memory_space<hbm>>, %arg5: memref<256xi32, #tpu.memory_space<vmem>>, %arg6: memref<5x32x768xf32, #tpu.memory_space<vmem>>, %arg7: memref<!tpu.dma_semaphore, #tpu.memory_space<semaphore_mem>>, %arg8: memref<!tpu.dma_semaphore, #tpu.memory_space<semaphore_mem>>, %arg9: memref<!tpu.dma_semaphore, #tpu.memory_space<semaphore_mem>>, %arg10: memref<!tpu.dma_semaphore, #tpu.memory_space<semaphore_mem>>, %arg11: memref<!tpu.dma_semaphore, #tpu.memory_space<semaphore_mem>>, %arg12: memref<!tpu.dma_semaphore, #tpu.memory_space<semaphore_mem>>, %arg13: memref<!tpu.dma_semaphore, #tpu.memory_space<semaphore_mem>>, %arg14: memref<!tpu.dma_semaphore, #tpu.memory_space<semaphore_mem>>, %arg15: memref<!tpu.dma_semaphore, #tpu.memory_space<semaphore_mem>>, %arg16: memref<!tpu.dma_semaphore, #tpu.memory_space<semaphore_mem>>) attributes {dimension_semantics = [#tpu.dimension_semantics<core_parallel>, #tpu.dimension_semantics<subcore_parallel>], iteration_bounds = array<i64: 2, 16>, scalar_prefetch = 0 : i64, scratch_operands = 12 : i64, tpu.core_type = #tpu.core_type<sc_vector_subcore>, window_params = [{transform_indices = #map}, {transform_indices = #map}, {transform_indices = #map}]} {
    %mul3A = arith.constant 16 : i32
    %mul3A_0 = arith.muli %arg0, %mul3A : i32
    %add3A = arith.addi %mul3A_0, %arg1 : i32
    %mul3A_1 = arith.constant 256 : i32
    %mul3A_2 = arith.muli %add3A, %mul3A_1 : i32
    %jit3A = arith.constant 8 : i32
    %div3A = arith.divsi %add3A, %jit3A : i32
    %sign3A = arith.constant 0 : i32
    %sign3A_3 = arith.cmpi sgt, %add3A, %sign3A : i32
    %sign3A_4 = arith.extui %sign3A_3 : i1 to i32
    %sign3A_5 = arith.constant 0 : i32
    %sign3A_6 = arith.cmpi slt, %add3A, %sign3A_5 : i32
    %sign3A_7 = arith.extui %sign3A_6 : i1 to i32
    %sign3A_8 = arith.subi %sign3A_4, %sign3A_7 : i32
    %sign3A_9 = arith.constant 0 : i32
    %sign3A_10 = arith.cmpi sgt, %jit3A, %sign3A_9 : i32
    %sign3A_11 = arith.extui %sign3A_10 : i1 to i32
    %sign3A_12 = arith.constant 0 : i32
    %sign3A_13 = arith.cmpi slt, %jit3A, %sign3A_12 : i32
    %sign3A_14 = arith.extui %sign3A_13 : i1 to i32
    %sign3A_15 = arith.subi %sign3A_11, %sign3A_14 : i32
    %ne3A = arith.cmpi ne, %sign3A_8, %sign3A_15 : i32
    %rem3A = arith.remsi %add3A, %jit3A : i32
    %ne3A_16 = arith.constant 0 : i32
    %ne3A_17 = arith.cmpi ne, %rem3A, %ne3A_16 : i32
    %and3A = arith.andi %ne3A, %ne3A_17 : i1
    %sub3A = arith.constant 1 : i32
    %sub3A_18 = arith.subi %div3A, %sub3A : i32
    %select_n3A = arith.select %and3A, %sub3A_18, %div3A : i32
    %jit3A_19 = arith.constant 8 : i32
    %eq3A = arith.constant 0 : i32
    %eq3A_20 = arith.cmpi eq, %jit3A_19, %eq3A : i32
    %jit3A_21 = arith.constant 1 : i32
    %select_n3A_22 = arith.select %eq3A_20, %jit3A_21, %jit3A_19 : i32
    %rem3A_23 = arith.remsi %add3A, %select_n3A_22 : i32
    %ne3A_24 = arith.constant 0 : i32
    %ne3A_25 = arith.cmpi ne, %rem3A_23, %ne3A_24 : i32
    %lt3A = arith.constant 0 : i32
    %lt3A_26 = arith.cmpi slt, %rem3A_23, %lt3A : i32
    %lt3A_27 = arith.constant 0 : i32
    %lt3A_28 = arith.cmpi slt, %select_n3A_22, %lt3A_27 : i32
    %ne3A_29 = arith.xori %lt3A_26, %lt3A_28 : i1
    %and3A_30 = arith.andi %ne3A_29, %ne3A_25 : i1
    %add3A_31 = arith.addi %rem3A_23, %select_n3A_22 : i32
    %select_n3A_32 = arith.select %and3A_30, %add3A_31, %rem3A_23 : i32
    %mul3A_33 = arith.constant 256 : i32
    %mul3A_34 = arith.muli %select_n3A_32, %mul3A_33 : i32
    "tpu.region"() ({
      %run_scoped3A = tpu.sem_alloc : memref<!tpu.dma_semaphore, #tpu.memory_space<semaphore_mem>>
      %dma_start3A_417 = tpu.memref_slice %arg3[%select_n3A, %mul3A_34] : memref<4x2048xi32, #tpu.memory_space<hbm>> -> memref<1x256xi32, #tpu.memory_space<hbm>>
      %dma_start3A_418 = tpu.memref_squeeze %dma_start3A_417 : memref<1x256xi32, #tpu.memory_space<hbm>> -> memref<256xi32, #tpu.memory_space<hbm>>
      %dma_start3A_419 = tpu.memref_slice %arg3[%select_n3A, %mul3A_34] : memref<4x2048xi32, #tpu.memory_space<hbm>> -> memref<1x256xi32, #tpu.memory_space<hbm>>
      %dma_start3A_420 = tpu.memref_squeeze %dma_start3A_419 : memref<1x256xi32, #tpu.memory_space<hbm>> -> memref<256xi32, #tpu.memory_space<hbm>>
      tpu.enqueue_dma source(%dma_start3A_420 : memref<256xi32, #tpu.memory_space<hbm>>) target(%arg5 : memref<256xi32, #tpu.memory_space<vmem>>) target_semaphore(%run_scoped3A : memref<!tpu.dma_semaphore, #tpu.memory_space<semaphore_mem>>)
      %dma_wait3A_421 = tpu.memref_slice %arg3[%select_n3A, %mul3A_34] : memref<4x2048xi32, #tpu.memory_space<hbm>> -> memref<1x256xi32, #tpu.memory_space<hbm>>
      %dma_wait3A_422 = tpu.memref_squeeze %dma_wait3A_421 : memref<1x256xi32, #tpu.memory_space<hbm>> -> memref<256xi32, #tpu.memory_space<hbm>>
      %dma_wait3A_423 = tpu.memref_slice %arg3[%select_n3A, %mul3A_34] : memref<4x2048xi32, #tpu.memory_space<hbm>> -> memref<1x256xi32, #tpu.memory_space<hbm>>
      %dma_wait3A_424 = tpu.memref_squeeze %dma_wait3A_423 : memref<1x256xi32, #tpu.memory_space<hbm>> -> memref<256xi32, #tpu.memory_space<hbm>>
      tpu.wait_dma2 semaphore(%run_scoped3A : memref<!tpu.dma_semaphore, #tpu.memory_space<semaphore_mem>>) src(%dma_wait3A_424 : memref<256xi32, #tpu.memory_space<hbm>>) dst(%arg5 : memref<256xi32, #tpu.memory_space<vmem>>)
      tpu.yield
    }) : () -> ()
    %dma_start3A = arith.constant 0 : i32
    %dma_start3A_35 = arith.constant 0 : i32
    %dma_start3A_36 = arith.constant 0 : i32
    %dma_start3A_37 = tpu.memref_slice %arg6[%dma_start3A, %dma_start3A_35, %dma_start3A_36] : memref<5x32x768xf32, #tpu.memory_space<vmem>> -> memref<1x32x768xf32, #tpu.memory_space<vmem>>
    %dma_start3A_38 = tpu.memref_squeeze %dma_start3A_37 : memref<1x32x768xf32, #tpu.memory_space<vmem>> -> memref<32x768xf32, #tpu.memory_space<vmem>>
    %dma_start3A_39 = arith.constant 0 : i32
    %dma_start3A_40 = tpu.memref_slice %arg5[%dma_start3A_39] : memref<256xi32, #tpu.memory_space<vmem>> -> memref<32xi32, #tpu.memory_space<vmem>>
    %dma_start3A_41 = arith.constant 0 : i32
    %dma_start3A_42 = arith.constant 0 : i32
    %dma_start3A_43 = tpu.memref_slice %arg2[%dma_start3A_41, %dma_start3A_42] : memref<626x768xf32, #tpu.memory_space<hbm>> -> memref<626x768xf32, #tpu.memory_space<hbm>>
    tpu.enqueue_indirect_dma source(%dma_start3A_43 : memref<626x768xf32, #tpu.memory_space<hbm>>) target(%dma_start3A_38 : memref<32x768xf32, #tpu.memory_space<vmem>>) offsets(%dma_start3A_40 : memref<32xi32, #tpu.memory_space<vmem>>) semaphore(%arg7 : memref<!tpu.dma_semaphore, #tpu.memory_space<semaphore_mem>>)
    %dma_start3A_44 = arith.constant 1 : i32
    %dma_start3A_45 = arith.constant 0 : i32
    %dma_start3A_46 = arith.constant 0 : i32
    %dma_start3A_47 = tpu.memref_slice %arg6[%dma_start3A_44, %dma_start3A_45, %dma_start3A_46] : memref<5x32x768xf32, #tpu.memory_space<vmem>> -> memref<1x32x768xf32, #tpu.memory_space<vmem>>
    %dma_start3A_48 = tpu.memref_squeeze %dma_start3A_47 : memref<1x32x768xf32, #tpu.memory_space<vmem>> -> memref<32x768xf32, #tpu.memory_space<vmem>>
    %dma_start3A_49 = arith.constant 32 : i32
    %dma_start3A_50 = tpu.memref_slice %arg5[%dma_start3A_49] : memref<256xi32, #tpu.memory_space<vmem>> -> memref<32xi32, #tpu.memory_space<vmem>>
    %dma_start3A_51 = arith.constant 0 : i32
    %dma_start3A_52 = arith.constant 0 : i32
    %dma_start3A_53 = tpu.memref_slice %arg2[%dma_start3A_51, %dma_start3A_52] : memref<626x768xf32, #tpu.memory_space<hbm>> -> memref<626x768xf32, #tpu.memory_space<hbm>>
    tpu.enqueue_indirect_dma source(%dma_start3A_53 : memref<626x768xf32, #tpu.memory_space<hbm>>) target(%dma_start3A_48 : memref<32x768xf32, #tpu.memory_space<vmem>>) offsets(%dma_start3A_50 : memref<32xi32, #tpu.memory_space<vmem>>) semaphore(%arg8 : memref<!tpu.dma_semaphore, #tpu.memory_space<semaphore_mem>>)
    %dma_start3A_54 = arith.constant 2 : i32
    %dma_start3A_55 = arith.constant 0 : i32
    %dma_start3A_56 = arith.constant 0 : i32
    %dma_start3A_57 = tpu.memref_slice %arg6[%dma_start3A_54, %dma_start3A_55, %dma_start3A_56] : memref<5x32x768xf32, #tpu.memory_space<vmem>> -> memref<1x32x768xf32, #tpu.memory_space<vmem>>
    %dma_start3A_58 = tpu.memref_squeeze %dma_start3A_57 : memref<1x32x768xf32, #tpu.memory_space<vmem>> -> memref<32x768xf32, #tpu.memory_space<vmem>>
    %dma_start3A_59 = arith.constant 64 : i32
    %dma_start3A_60 = tpu.memref_slice %arg5[%dma_start3A_59] : memref<256xi32, #tpu.memory_space<vmem>> -> memref<32xi32, #tpu.memory_space<vmem>>
    %dma_start3A_61 = arith.constant 0 : i32
    %dma_start3A_62 = arith.constant 0 : i32
    %dma_start3A_63 = tpu.memref_slice %arg2[%dma_start3A_61, %dma_start3A_62] : memref<626x768xf32, #tpu.memory_space<hbm>> -> memref<626x768xf32, #tpu.memory_space<hbm>>
    tpu.enqueue_indirect_dma source(%dma_start3A_63 : memref<626x768xf32, #tpu.memory_space<hbm>>) target(%dma_start3A_58 : memref<32x768xf32, #tpu.memory_space<vmem>>) offsets(%dma_start3A_60 : memref<32xi32, #tpu.memory_space<vmem>>) semaphore(%arg9 : memref<!tpu.dma_semaphore, #tpu.memory_space<semaphore_mem>>)
    %dma_start3A_64 = arith.constant 3 : i32
    %dma_start3A_65 = arith.constant 0 : i32
    %dma_start3A_66 = arith.constant 0 : i32
    %dma_start3A_67 = tpu.memref_slice %arg6[%dma_start3A_64, %dma_start3A_65, %dma_start3A_66] : memref<5x32x768xf32, #tpu.memory_space<vmem>> -> memref<1x32x768xf32, #tpu.memory_space<vmem>>
    %dma_start3A_68 = tpu.memref_squeeze %dma_start3A_67 : memref<1x32x768xf32, #tpu.memory_space<vmem>> -> memref<32x768xf32, #tpu.memory_space<vmem>>
    %dma_start3A_69 = arith.constant 96 : i32
    %dma_start3A_70 = tpu.memref_slice %arg5[%dma_start3A_69] : memref<256xi32, #tpu.memory_space<vmem>> -> memref<32xi32, #tpu.memory_space<vmem>>
    %dma_start3A_71 = arith.constant 0 : i32
    %dma_start3A_72 = arith.constant 0 : i32
    %dma_start3A_73 = tpu.memref_slice %arg2[%dma_start3A_71, %dma_start3A_72] : memref<626x768xf32, #tpu.memory_space<hbm>> -> memref<626x768xf32, #tpu.memory_space<hbm>>
    tpu.enqueue_indirect_dma source(%dma_start3A_73 : memref<626x768xf32, #tpu.memory_space<hbm>>) target(%dma_start3A_68 : memref<32x768xf32, #tpu.memory_space<vmem>>) offsets(%dma_start3A_70 : memref<32xi32, #tpu.memory_space<vmem>>) semaphore(%arg10 : memref<!tpu.dma_semaphore, #tpu.memory_space<semaphore_mem>>)
    %dma_wait3A = arith.constant 0 : i32
    %dma_wait3A_74 = arith.constant 0 : i32
    %dma_wait3A_75 = arith.constant 0 : i32
    %dma_wait3A_76 = tpu.memref_slice %arg6[%dma_wait3A, %dma_wait3A_74, %dma_wait3A_75] : memref<5x32x768xf32, #tpu.memory_space<vmem>> -> memref<1x32x768xf32, #tpu.memory_space<vmem>>
    %dma_wait3A_77 = tpu.memref_squeeze %dma_wait3A_76 : memref<1x32x768xf32, #tpu.memory_space<vmem>> -> memref<32x768xf32, #tpu.memory_space<vmem>>
    %dma_wait3A_78 = arith.constant 0 : i32
    %dma_wait3A_79 = tpu.memref_slice %arg5[%dma_wait3A_78] : memref<256xi32, #tpu.memory_space<vmem>> -> memref<32xi32, #tpu.memory_space<vmem>>
    %dma_wait3A_80 = arith.constant 0 : i32
    %dma_wait3A_81 = arith.constant 0 : i32
    %dma_wait3A_82 = tpu.memref_slice %arg2[%dma_wait3A_80, %dma_wait3A_81] : memref<626x768xf32, #tpu.memory_space<hbm>> -> memref<626x768xf32, #tpu.memory_space<hbm>>
    tpu.wait_indirect_dma semaphore(%arg7 : memref<!tpu.dma_semaphore, #tpu.memory_space<semaphore_mem>>) src(%dma_wait3A_82 : memref<626x768xf32, #tpu.memory_space<hbm>>) dst(%dma_wait3A_77 : memref<32x768xf32, #tpu.memory_space<vmem>>)
    %add3A_83 = arith.constant 0 : i32
    %add3A_84 = arith.addi %mul3A_2, %add3A_83 : i32
    %dma_start3A_85 = arith.constant 0 : i32
    %dma_start3A_86 = arith.constant 0 : i32
    %dma_start3A_87 = arith.constant 0 : i32
    %dma_start3A_88 = tpu.memref_slice %arg6[%dma_start3A_85, %dma_start3A_86, %dma_start3A_87] : memref<5x32x768xf32, #tpu.memory_space<vmem>> -> memref<1x32x768xf32, #tpu.memory_space<vmem>>
    %dma_start3A_89 = tpu.memref_squeeze %dma_start3A_88 : memref<1x32x768xf32, #tpu.memory_space<vmem>> -> memref<32x768xf32, #tpu.memory_space<vmem>>
    %dma_start3A_90 = arith.constant 0 : i32
    %dma_start3A_91 = tpu.memref_slice %arg4[%add3A_84, %dma_start3A_90] : memref<8192x768xf32, #tpu.memory_space<hbm>> -> memref<32x768xf32, #tpu.memory_space<hbm>>
    %dma_start3A_92 = arith.constant 0 : i32
    %dma_start3A_93 = tpu.memref_slice %arg4[%add3A_84, %dma_start3A_92] : memref<8192x768xf32, #tpu.memory_space<hbm>> -> memref<32x768xf32, #tpu.memory_space<hbm>>
    %dma_start3A_94 = arith.constant 0 : i32
    %dma_start3A_95 = arith.constant 0 : i32
    %dma_start3A_96 = tpu.memref_slice %arg6[%dma_start3A_85, %dma_start3A_94, %dma_start3A_95] : memref<5x32x768xf32, #tpu.memory_space<vmem>> -> memref<1x32x768xf32, #tpu.memory_space<vmem>>
    %dma_start3A_97 = tpu.memref_squeeze %dma_start3A_96 : memref<1x32x768xf32, #tpu.memory_space<vmem>> -> memref<32x768xf32, #tpu.memory_space<vmem>>
    tpu.enqueue_dma source(%dma_start3A_97 : memref<32x768xf32, #tpu.memory_space<vmem>>) target(%dma_start3A_93 : memref<32x768xf32, #tpu.memory_space<hbm>>) target_semaphore(%arg12 : memref<!tpu.dma_semaphore, #tpu.memory_space<semaphore_mem>>)
    %dma_start3A_98 = arith.constant 4 : i32
    %dma_start3A_99 = arith.constant 0 : i32
    %dma_start3A_100 = arith.constant 0 : i32
    %dma_start3A_101 = tpu.memref_slice %arg6[%dma_start3A_98, %dma_start3A_99, %dma_start3A_100] : memref<5x32x768xf32, #tpu.memory_space<vmem>> -> memref<1x32x768xf32, #tpu.memory_space<vmem>>
    %dma_start3A_102 = tpu.memref_squeeze %dma_start3A_101 : memref<1x32x768xf32, #tpu.memory_space<vmem>> -> memref<32x768xf32, #tpu.memory_space<vmem>>
    %dma_start3A_103 = arith.constant 128 : i32
    %dma_start3A_104 = tpu.memref_slice %arg5[%dma_start3A_103] : memref<256xi32, #tpu.memory_space<vmem>> -> memref<32xi32, #tpu.memory_space<vmem>>
    %dma_start3A_105 = arith.constant 0 : i32
    %dma_start3A_106 = arith.constant 0 : i32
    %dma_start3A_107 = tpu.memref_slice %arg2[%dma_start3A_105, %dma_start3A_106] : memref<626x768xf32, #tpu.memory_space<hbm>> -> memref<626x768xf32, #tpu.memory_space<hbm>>
    tpu.enqueue_indirect_dma source(%dma_start3A_107 : memref<626x768xf32, #tpu.memory_space<hbm>>) target(%dma_start3A_102 : memref<32x768xf32, #tpu.memory_space<vmem>>) offsets(%dma_start3A_104 : memref<32xi32, #tpu.memory_space<vmem>>) semaphore(%arg11 : memref<!tpu.dma_semaphore, #tpu.memory_space<semaphore_mem>>)
    %dma_wait3A_108 = arith.constant 1 : i32
    %dma_wait3A_109 = arith.constant 0 : i32
    %dma_wait3A_110 = arith.constant 0 : i32
    %dma_wait3A_111 = tpu.memref_slice %arg6[%dma_wait3A_108, %dma_wait3A_109, %dma_wait3A_110] : memref<5x32x768xf32, #tpu.memory_space<vmem>> -> memref<1x32x768xf32, #tpu.memory_space<vmem>>
    %dma_wait3A_112 = tpu.memref_squeeze %dma_wait3A_111 : memref<1x32x768xf32, #tpu.memory_space<vmem>> -> memref<32x768xf32, #tpu.memory_space<vmem>>
    %dma_wait3A_113 = arith.constant 32 : i32
    %dma_wait3A_114 = tpu.memref_slice %arg5[%dma_wait3A_113] : memref<256xi32, #tpu.memory_space<vmem>> -> memref<32xi32, #tpu.memory_space<vmem>>
    %dma_wait3A_115 = arith.constant 0 : i32
    %dma_wait3A_116 = arith.constant 0 : i32
    %dma_wait3A_117 = tpu.memref_slice %arg2[%dma_wait3A_115, %dma_wait3A_116] : memref<626x768xf32, #tpu.memory_space<hbm>> -> memref<626x768xf32, #tpu.memory_space<hbm>>
    tpu.wait_indirect_dma semaphore(%arg8 : memref<!tpu.dma_semaphore, #tpu.memory_space<semaphore_mem>>) src(%dma_wait3A_117 : memref<626x768xf32, #tpu.memory_space<hbm>>) dst(%dma_wait3A_112 : memref<32x768xf32, #tpu.memory_space<vmem>>)
    %add3A_118 = arith.constant 32 : i32
    %add3A_119 = arith.addi %mul3A_2, %add3A_118 : i32
    %dma_start3A_120 = arith.constant 1 : i32
    %dma_start3A_121 = arith.constant 0 : i32
    %dma_start3A_122 = arith.constant 0 : i32
    %dma_start3A_123 = tpu.memref_slice %arg6[%dma_start3A_120, %dma_start3A_121, %dma_start3A_122] : memref<5x32x768xf32, #tpu.memory_space<vmem>> -> memref<1x32x768xf32, #tpu.memory_space<vmem>>
    %dma_start3A_124 = tpu.memref_squeeze %dma_start3A_123 : memref<1x32x768xf32, #tpu.memory_space<vmem>> -> memref<32x768xf32, #tpu.memory_space<vmem>>
    %dma_start3A_125 = arith.constant 0 : i32
    %dma_start3A_126 = tpu.memref_slice %arg4[%add3A_119, %dma_start3A_125] : memref<8192x768xf32, #tpu.memory_space<hbm>> -> memref<32x768xf32, #tpu.memory_space<hbm>>
    %dma_start3A_127 = arith.constant 0 : i32
    %dma_start3A_128 = tpu.memref_slice %arg4[%add3A_119, %dma_start3A_127] : memref<8192x768xf32, #tpu.memory_space<hbm>> -> memref<32x768xf32, #tpu.memory_space<hbm>>
    %dma_start3A_129 = arith.constant 0 : i32
    %dma_start3A_130 = arith.constant 0 : i32
    %dma_start3A_131 = tpu.memref_slice %arg6[%dma_start3A_120, %dma_start3A_129, %dma_start3A_130] : memref<5x32x768xf32, #tpu.memory_space<vmem>> -> memref<1x32x768xf32, #tpu.memory_space<vmem>>
    %dma_start3A_132 = tpu.memref_squeeze %dma_start3A_131 : memref<1x32x768xf32, #tpu.memory_space<vmem>> -> memref<32x768xf32, #tpu.memory_space<vmem>>
    tpu.enqueue_dma source(%dma_start3A_132 : memref<32x768xf32, #tpu.memory_space<vmem>>) target(%dma_start3A_128 : memref<32x768xf32, #tpu.memory_space<hbm>>) target_semaphore(%arg13 : memref<!tpu.dma_semaphore, #tpu.memory_space<semaphore_mem>>)
    %dma_wait3A_133 = arith.constant 0 : i32
    %dma_wait3A_134 = arith.constant 0 : i32
    %dma_wait3A_135 = arith.constant 0 : i32
    %dma_wait3A_136 = tpu.memref_slice %arg6[%dma_wait3A_133, %dma_wait3A_134, %dma_wait3A_135] : memref<5x32x768xf32, #tpu.memory_space<vmem>> -> memref<1x32x768xf32, #tpu.memory_space<vmem>>
    %dma_wait3A_137 = tpu.memref_squeeze %dma_wait3A_136 : memref<1x32x768xf32, #tpu.memory_space<vmem>> -> memref<32x768xf32, #tpu.memory_space<vmem>>
    %dma_wait3A_138 = arith.constant 0 : i32
    %dma_wait3A_139 = tpu.memref_slice %arg4[%add3A_84, %dma_wait3A_138] : memref<8192x768xf32, #tpu.memory_space<hbm>> -> memref<32x768xf32, #tpu.memory_space<hbm>>
    %dma_wait3A_140 = arith.constant 0 : i32
    %dma_wait3A_141 = tpu.memref_slice %arg4[%add3A_84, %dma_wait3A_140] : memref<8192x768xf32, #tpu.memory_space<hbm>> -> memref<32x768xf32, #tpu.memory_space<hbm>>
    %dma_wait3A_142 = arith.constant 0 : i32
    %dma_wait3A_143 = arith.constant 0 : i32
    %dma_wait3A_144 = tpu.memref_slice %arg6[%dma_wait3A_133, %dma_wait3A_142, %dma_wait3A_143] : memref<5x32x768xf32, #tpu.memory_space<vmem>> -> memref<1x32x768xf32, #tpu.memory_space<vmem>>
    %dma_wait3A_145 = tpu.memref_squeeze %dma_wait3A_144 : memref<1x32x768xf32, #tpu.memory_space<vmem>> -> memref<32x768xf32, #tpu.memory_space<vmem>>
    tpu.wait_dma2 semaphore(%arg12 : memref<!tpu.dma_semaphore, #tpu.memory_space<semaphore_mem>>) src(%dma_wait3A_145 : memref<32x768xf32, #tpu.memory_space<vmem>>) dst(%dma_wait3A_141 : memref<32x768xf32, #tpu.memory_space<hbm>>)
    %dma_start3A_146 = arith.constant 0 : i32
    %dma_start3A_147 = arith.constant 0 : i32
    %dma_start3A_148 = arith.constant 0 : i32
    %dma_start3A_149 = tpu.memref_slice %arg6[%dma_start3A_146, %dma_start3A_147, %dma_start3A_148] : memref<5x32x768xf32, #tpu.memory_space<vmem>> -> memref<1x32x768xf32, #tpu.memory_space<vmem>>
    %dma_start3A_150 = tpu.memref_squeeze %dma_start3A_149 : memref<1x32x768xf32, #tpu.memory_space<vmem>> -> memref<32x768xf32, #tpu.memory_space<vmem>>
    %dma_start3A_151 = arith.constant 160 : i32
    %dma_start3A_152 = tpu.memref_slice %arg5[%dma_start3A_151] : memref<256xi32, #tpu.memory_space<vmem>> -> memref<32xi32, #tpu.memory_space<vmem>>
    %dma_start3A_153 = arith.constant 0 : i32
    %dma_start3A_154 = arith.constant 0 : i32
    %dma_start3A_155 = tpu.memref_slice %arg2[%dma_start3A_153, %dma_start3A_154] : memref<626x768xf32, #tpu.memory_space<hbm>> -> memref<626x768xf32, #tpu.memory_space<hbm>>
    tpu.enqueue_indirect_dma source(%dma_start3A_155 : memref<626x768xf32, #tpu.memory_space<hbm>>) target(%dma_start3A_150 : memref<32x768xf32, #tpu.memory_space<vmem>>) offsets(%dma_start3A_152 : memref<32xi32, #tpu.memory_space<vmem>>) semaphore(%arg7 : memref<!tpu.dma_semaphore, #tpu.memory_space<semaphore_mem>>)
    %dma_wait3A_156 = arith.constant 2 : i32
    %dma_wait3A_157 = arith.constant 0 : i32
    %dma_wait3A_158 = arith.constant 0 : i32
    %dma_wait3A_159 = tpu.memref_slice %arg6[%dma_wait3A_156, %dma_wait3A_157, %dma_wait3A_158] : memref<5x32x768xf32, #tpu.memory_space<vmem>> -> memref<1x32x768xf32, #tpu.memory_space<vmem>>
    %dma_wait3A_160 = tpu.memref_squeeze %dma_wait3A_159 : memref<1x32x768xf32, #tpu.memory_space<vmem>> -> memref<32x768xf32, #tpu.memory_space<vmem>>
    %dma_wait3A_161 = arith.constant 64 : i32
    %dma_wait3A_162 = tpu.memref_slice %arg5[%dma_wait3A_161] : memref<256xi32, #tpu.memory_space<vmem>> -> memref<32xi32, #tpu.memory_space<vmem>>
    %dma_wait3A_163 = arith.constant 0 : i32
    %dma_wait3A_164 = arith.constant 0 : i32
    %dma_wait3A_165 = tpu.memref_slice %arg2[%dma_wait3A_163, %dma_wait3A_164] : memref<626x768xf32, #tpu.memory_space<hbm>> -> memref<626x768xf32, #tpu.memory_space<hbm>>
    tpu.wait_indirect_dma semaphore(%arg9 : memref<!tpu.dma_semaphore, #tpu.memory_space<semaphore_mem>>) src(%dma_wait3A_165 : memref<626x768xf32, #tpu.memory_space<hbm>>) dst(%dma_wait3A_160 : memref<32x768xf32, #tpu.memory_space<vmem>>)
    %add3A_166 = arith.constant 64 : i32
    %add3A_167 = arith.addi %mul3A_2, %add3A_166 : i32
    %dma_start3A_168 = arith.constant 2 : i32
    %dma_start3A_169 = arith.constant 0 : i32
    %dma_start3A_170 = arith.constant 0 : i32
    %dma_start3A_171 = tpu.memref_slice %arg6[%dma_start3A_168, %dma_start3A_169, %dma_start3A_170] : memref<5x32x768xf32, #tpu.memory_space<vmem>> -> memref<1x32x768xf32, #tpu.memory_space<vmem>>
    %dma_start3A_172 = tpu.memref_squeeze %dma_start3A_171 : memref<1x32x768xf32, #tpu.memory_space<vmem>> -> memref<32x768xf32, #tpu.memory_space<vmem>>
    %dma_start3A_173 = arith.constant 0 : i32
    %dma_start3A_174 = tpu.memref_slice %arg4[%add3A_167, %dma_start3A_173] : memref<8192x768xf32, #tpu.memory_space<hbm>> -> memref<32x768xf32, #tpu.memory_space<hbm>>
    %dma_start3A_175 = arith.constant 0 : i32
    %dma_start3A_176 = tpu.memref_slice %arg4[%add3A_167, %dma_start3A_175] : memref<8192x768xf32, #tpu.memory_space<hbm>> -> memref<32x768xf32, #tpu.memory_space<hbm>>
    %dma_start3A_177 = arith.constant 0 : i32
    %dma_start3A_178 = arith.constant 0 : i32
    %dma_start3A_179 = tpu.memref_slice %arg6[%dma_start3A_168, %dma_start3A_177, %dma_start3A_178] : memref<5x32x768xf32, #tpu.memory_space<vmem>> -> memref<1x32x768xf32, #tpu.memory_space<vmem>>
    %dma_start3A_180 = tpu.memref_squeeze %dma_start3A_179 : memref<1x32x768xf32, #tpu.memory_space<vmem>> -> memref<32x768xf32, #tpu.memory_space<vmem>>
    tpu.enqueue_dma source(%dma_start3A_180 : memref<32x768xf32, #tpu.memory_space<vmem>>) target(%dma_start3A_176 : memref<32x768xf32, #tpu.memory_space<hbm>>) target_semaphore(%arg14 : memref<!tpu.dma_semaphore, #tpu.memory_space<semaphore_mem>>)
    %dma_wait3A_181 = arith.constant 1 : i32
    %dma_wait3A_182 = arith.constant 0 : i32
    %dma_wait3A_183 = arith.constant 0 : i32
    %dma_wait3A_184 = tpu.memref_slice %arg6[%dma_wait3A_181, %dma_wait3A_182, %dma_wait3A_183] : memref<5x32x768xf32, #tpu.memory_space<vmem>> -> memref<1x32x768xf32, #tpu.memory_space<vmem>>
    %dma_wait3A_185 = tpu.memref_squeeze %dma_wait3A_184 : memref<1x32x768xf32, #tpu.memory_space<vmem>> -> memref<32x768xf32, #tpu.memory_space<vmem>>
    %dma_wait3A_186 = arith.constant 0 : i32
    %dma_wait3A_187 = tpu.memref_slice %arg4[%add3A_119, %dma_wait3A_186] : memref<8192x768xf32, #tpu.memory_space<hbm>> -> memref<32x768xf32, #tpu.memory_space<hbm>>
    %dma_wait3A_188 = arith.constant 0 : i32
    %dma_wait3A_189 = tpu.memref_slice %arg4[%add3A_119, %dma_wait3A_188] : memref<8192x768xf32, #tpu.memory_space<hbm>> -> memref<32x768xf32, #tpu.memory_space<hbm>>
    %dma_wait3A_190 = arith.constant 0 : i32
    %dma_wait3A_191 = arith.constant 0 : i32
    %dma_wait3A_192 = tpu.memref_slice %arg6[%dma_wait3A_181, %dma_wait3A_190, %dma_wait3A_191] : memref<5x32x768xf32, #tpu.memory_space<vmem>> -> memref<1x32x768xf32, #tpu.memory_space<vmem>>
    %dma_wait3A_193 = tpu.memref_squeeze %dma_wait3A_192 : memref<1x32x768xf32, #tpu.memory_space<vmem>> -> memref<32x768xf32, #tpu.memory_space<vmem>>
    tpu.wait_dma2 semaphore(%arg13 : memref<!tpu.dma_semaphore, #tpu.memory_space<semaphore_mem>>) src(%dma_wait3A_193 : memref<32x768xf32, #tpu.memory_space<vmem>>) dst(%dma_wait3A_189 : memref<32x768xf32, #tpu.memory_space<hbm>>)
    %dma_start3A_194 = arith.constant 1 : i32
    %dma_start3A_195 = arith.constant 0 : i32
    %dma_start3A_196 = arith.constant 0 : i32
    %dma_start3A_197 = tpu.memref_slice %arg6[%dma_start3A_194, %dma_start3A_195, %dma_start3A_196] : memref<5x32x768xf32, #tpu.memory_space<vmem>> -> memref<1x32x768xf32, #tpu.memory_space<vmem>>
    %dma_start3A_198 = tpu.memref_squeeze %dma_start3A_197 : memref<1x32x768xf32, #tpu.memory_space<vmem>> -> memref<32x768xf32, #tpu.memory_space<vmem>>
    %dma_start3A_199 = arith.constant 192 : i32
    %dma_start3A_200 = tpu.memref_slice %arg5[%dma_start3A_199] : memref<256xi32, #tpu.memory_space<vmem>> -> memref<32xi32, #tpu.memory_space<vmem>>
    %dma_start3A_201 = arith.constant 0 : i32
    %dma_start3A_202 = arith.constant 0 : i32
    %dma_start3A_203 = tpu.memref_slice %arg2[%dma_start3A_201, %dma_start3A_202] : memref<626x768xf32, #tpu.memory_space<hbm>> -> memref<626x768xf32, #tpu.memory_space<hbm>>
    tpu.enqueue_indirect_dma source(%dma_start3A_203 : memref<626x768xf32, #tpu.memory_space<hbm>>) target(%dma_start3A_198 : memref<32x768xf32, #tpu.memory_space<vmem>>) offsets(%dma_start3A_200 : memref<32xi32, #tpu.memory_space<vmem>>) semaphore(%arg8 : memref<!tpu.dma_semaphore, #tpu.memory_space<semaphore_mem>>)
    %dma_wait3A_204 = arith.constant 3 : i32
    %dma_wait3A_205 = arith.constant 0 : i32
    %dma_wait3A_206 = arith.constant 0 : i32
    %dma_wait3A_207 = tpu.memref_slice %arg6[%dma_wait3A_204, %dma_wait3A_205, %dma_wait3A_206] : memref<5x32x768xf32, #tpu.memory_space<vmem>> -> memref<1x32x768xf32, #tpu.memory_space<vmem>>
    %dma_wait3A_208 = tpu.memref_squeeze %dma_wait3A_207 : memref<1x32x768xf32, #tpu.memory_space<vmem>> -> memref<32x768xf32, #tpu.memory_space<vmem>>
    %dma_wait3A_209 = arith.constant 96 : i32
    %dma_wait3A_210 = tpu.memref_slice %arg5[%dma_wait3A_209] : memref<256xi32, #tpu.memory_space<vmem>> -> memref<32xi32, #tpu.memory_space<vmem>>
    %dma_wait3A_211 = arith.constant 0 : i32
    %dma_wait3A_212 = arith.constant 0 : i32
    %dma_wait3A_213 = tpu.memref_slice %arg2[%dma_wait3A_211, %dma_wait3A_212] : memref<626x768xf32, #tpu.memory_space<hbm>> -> memref<626x768xf32, #tpu.memory_space<hbm>>
    tpu.wait_indirect_dma semaphore(%arg10 : memref<!tpu.dma_semaphore, #tpu.memory_space<semaphore_mem>>) src(%dma_wait3A_213 : memref<626x768xf32, #tpu.memory_space<hbm>>) dst(%dma_wait3A_208 : memref<32x768xf32, #tpu.memory_space<vmem>>)
    %add3A_214 = arith.constant 96 : i32
    %add3A_215 = arith.addi %mul3A_2, %add3A_214 : i32
    %dma_start3A_216 = arith.constant 3 : i32
    %dma_start3A_217 = arith.constant 0 : i32
    %dma_start3A_218 = arith.constant 0 : i32
    %dma_start3A_219 = tpu.memref_slice %arg6[%dma_start3A_216, %dma_start3A_217, %dma_start3A_218] : memref<5x32x768xf32, #tpu.memory_space<vmem>> -> memref<1x32x768xf32, #tpu.memory_space<vmem>>
    %dma_start3A_220 = tpu.memref_squeeze %dma_start3A_219 : memref<1x32x768xf32, #tpu.memory_space<vmem>> -> memref<32x768xf32, #tpu.memory_space<vmem>>
    %dma_start3A_221 = arith.constant 0 : i32
    %dma_start3A_222 = tpu.memref_slice %arg4[%add3A_215, %dma_start3A_221] : memref<8192x768xf32, #tpu.memory_space<hbm>> -> memref<32x768xf32, #tpu.memory_space<hbm>>
    %dma_start3A_223 = arith.constant 0 : i32
    %dma_start3A_224 = tpu.memref_slice %arg4[%add3A_215, %dma_start3A_223] : memref<8192x768xf32, #tpu.memory_space<hbm>> -> memref<32x768xf32, #tpu.memory_space<hbm>>
    %dma_start3A_225 = arith.constant 0 : i32
    %dma_start3A_226 = arith.constant 0 : i32
    %dma_start3A_227 = tpu.memref_slice %arg6[%dma_start3A_216, %dma_start3A_225, %dma_start3A_226] : memref<5x32x768xf32, #tpu.memory_space<vmem>> -> memref<1x32x768xf32, #tpu.memory_space<vmem>>
    %dma_start3A_228 = tpu.memref_squeeze %dma_start3A_227 : memref<1x32x768xf32, #tpu.memory_space<vmem>> -> memref<32x768xf32, #tpu.memory_space<vmem>>
    tpu.enqueue_dma source(%dma_start3A_228 : memref<32x768xf32, #tpu.memory_space<vmem>>) target(%dma_start3A_224 : memref<32x768xf32, #tpu.memory_space<hbm>>) target_semaphore(%arg15 : memref<!tpu.dma_semaphore, #tpu.memory_space<semaphore_mem>>)
    %dma_wait3A_229 = arith.constant 2 : i32
    %dma_wait3A_230 = arith.constant 0 : i32
    %dma_wait3A_231 = arith.constant 0 : i32
    %dma_wait3A_232 = tpu.memref_slice %arg6[%dma_wait3A_229, %dma_wait3A_230, %dma_wait3A_231] : memref<5x32x768xf32, #tpu.memory_space<vmem>> -> memref<1x32x768xf32, #tpu.memory_space<vmem>>
    %dma_wait3A_233 = tpu.memref_squeeze %dma_wait3A_232 : memref<1x32x768xf32, #tpu.memory_space<vmem>> -> memref<32x768xf32, #tpu.memory_space<vmem>>
    %dma_wait3A_234 = arith.constant 0 : i32
    %dma_wait3A_235 = tpu.memref_slice %arg4[%add3A_167, %dma_wait3A_234] : memref<8192x768xf32, #tpu.memory_space<hbm>> -> memref<32x768xf32, #tpu.memory_space<hbm>>
    %dma_wait3A_236 = arith.constant 0 : i32
    %dma_wait3A_237 = tpu.memref_slice %arg4[%add3A_167, %dma_wait3A_236] : memref<8192x768xf32, #tpu.memory_space<hbm>> -> memref<32x768xf32, #tpu.memory_space<hbm>>
    %dma_wait3A_238 = arith.constant 0 : i32
    %dma_wait3A_239 = arith.constant 0 : i32
    %dma_wait3A_240 = tpu.memref_slice %arg6[%dma_wait3A_229, %dma_wait3A_238, %dma_wait3A_239] : memref<5x32x768xf32, #tpu.memory_space<vmem>> -> memref<1x32x768xf32, #tpu.memory_space<vmem>>
    %dma_wait3A_241 = tpu.memref_squeeze %dma_wait3A_240 : memref<1x32x768xf32, #tpu.memory_space<vmem>> -> memref<32x768xf32, #tpu.memory_space<vmem>>
    tpu.wait_dma2 semaphore(%arg14 : memref<!tpu.dma_semaphore, #tpu.memory_space<semaphore_mem>>) src(%dma_wait3A_241 : memref<32x768xf32, #tpu.memory_space<vmem>>) dst(%dma_wait3A_237 : memref<32x768xf32, #tpu.memory_space<hbm>>)
    %dma_start3A_242 = arith.constant 2 : i32
    %dma_start3A_243 = arith.constant 0 : i32
    %dma_start3A_244 = arith.constant 0 : i32
    %dma_start3A_245 = tpu.memref_slice %arg6[%dma_start3A_242, %dma_start3A_243, %dma_start3A_244] : memref<5x32x768xf32, #tpu.memory_space<vmem>> -> memref<1x32x768xf32, #tpu.memory_space<vmem>>
    %dma_start3A_246 = tpu.memref_squeeze %dma_start3A_245 : memref<1x32x768xf32, #tpu.memory_space<vmem>> -> memref<32x768xf32, #tpu.memory_space<vmem>>
    %dma_start3A_247 = arith.constant 224 : i32
    %dma_start3A_248 = tpu.memref_slice %arg5[%dma_start3A_247] : memref<256xi32, #tpu.memory_space<vmem>> -> memref<32xi32, #tpu.memory_space<vmem>>
    %dma_start3A_249 = arith.constant 0 : i32
    %dma_start3A_250 = arith.constant 0 : i32
    %dma_start3A_251 = tpu.memref_slice %arg2[%dma_start3A_249, %dma_start3A_250] : memref<626x768xf32, #tpu.memory_space<hbm>> -> memref<626x768xf32, #tpu.memory_space<hbm>>
    tpu.enqueue_indirect_dma source(%dma_start3A_251 : memref<626x768xf32, #tpu.memory_space<hbm>>) target(%dma_start3A_246 : memref<32x768xf32, #tpu.memory_space<vmem>>) offsets(%dma_start3A_248 : memref<32xi32, #tpu.memory_space<vmem>>) semaphore(%arg9 : memref<!tpu.dma_semaphore, #tpu.memory_space<semaphore_mem>>)
    %dma_wait3A_252 = arith.constant 4 : i32
    %dma_wait3A_253 = arith.constant 0 : i32
    %dma_wait3A_254 = arith.constant 0 : i32
    %dma_wait3A_255 = tpu.memref_slice %arg6[%dma_wait3A_252, %dma_wait3A_253, %dma_wait3A_254] : memref<5x32x768xf32, #tpu.memory_space<vmem>> -> memref<1x32x768xf32, #tpu.memory_space<vmem>>
    %dma_wait3A_256 = tpu.memref_squeeze %dma_wait3A_255 : memref<1x32x768xf32, #tpu.memory_space<vmem>> -> memref<32x768xf32, #tpu.memory_space<vmem>>
    %dma_wait3A_257 = arith.constant 128 : i32
    %dma_wait3A_258 = tpu.memref_slice %arg5[%dma_wait3A_257] : memref<256xi32, #tpu.memory_space<vmem>> -> memref<32xi32, #tpu.memory_space<vmem>>
    %dma_wait3A_259 = arith.constant 0 : i32
    %dma_wait3A_260 = arith.constant 0 : i32
    %dma_wait3A_261 = tpu.memref_slice %arg2[%dma_wait3A_259, %dma_wait3A_260] : memref<626x768xf32, #tpu.memory_space<hbm>> -> memref<626x768xf32, #tpu.memory_space<hbm>>
    tpu.wait_indirect_dma semaphore(%arg11 : memref<!tpu.dma_semaphore, #tpu.memory_space<semaphore_mem>>) src(%dma_wait3A_261 : memref<626x768xf32, #tpu.memory_space<hbm>>) dst(%dma_wait3A_256 : memref<32x768xf32, #tpu.memory_space<vmem>>)
    %add3A_262 = arith.constant 128 : i32
    %add3A_263 = arith.addi %mul3A_2, %add3A_262 : i32
    %dma_start3A_264 = arith.constant 4 : i32
    %dma_start3A_265 = arith.constant 0 : i32
    %dma_start3A_266 = arith.constant 0 : i32
    %dma_start3A_267 = tpu.memref_slice %arg6[%dma_start3A_264, %dma_start3A_265, %dma_start3A_266] : memref<5x32x768xf32, #tpu.memory_space<vmem>> -> memref<1x32x768xf32, #tpu.memory_space<vmem>>
    %dma_start3A_268 = tpu.memref_squeeze %dma_start3A_267 : memref<1x32x768xf32, #tpu.memory_space<vmem>> -> memref<32x768xf32, #tpu.memory_space<vmem>>
    %dma_start3A_269 = arith.constant 0 : i32
    %dma_start3A_270 = tpu.memref_slice %arg4[%add3A_263, %dma_start3A_269] : memref<8192x768xf32, #tpu.memory_space<hbm>> -> memref<32x768xf32, #tpu.memory_space<hbm>>
    %dma_start3A_271 = arith.constant 0 : i32
    %dma_start3A_272 = tpu.memref_slice %arg4[%add3A_263, %dma_start3A_271] : memref<8192x768xf32, #tpu.memory_space<hbm>> -> memref<32x768xf32, #tpu.memory_space<hbm>>
    %dma_start3A_273 = arith.constant 0 : i32
    %dma_start3A_274 = arith.constant 0 : i32
    %dma_start3A_275 = tpu.memref_slice %arg6[%dma_start3A_264, %dma_start3A_273, %dma_start3A_274] : memref<5x32x768xf32, #tpu.memory_space<vmem>> -> memref<1x32x768xf32, #tpu.memory_space<vmem>>
    %dma_start3A_276 = tpu.memref_squeeze %dma_start3A_275 : memref<1x32x768xf32, #tpu.memory_space<vmem>> -> memref<32x768xf32, #tpu.memory_space<vmem>>
    tpu.enqueue_dma source(%dma_start3A_276 : memref<32x768xf32, #tpu.memory_space<vmem>>) target(%dma_start3A_272 : memref<32x768xf32, #tpu.memory_space<hbm>>) target_semaphore(%arg16 : memref<!tpu.dma_semaphore, #tpu.memory_space<semaphore_mem>>)
    %dma_wait3A_277 = arith.constant 0 : i32
    %dma_wait3A_278 = arith.constant 0 : i32
    %dma_wait3A_279 = arith.constant 0 : i32
    %dma_wait3A_280 = tpu.memref_slice %arg6[%dma_wait3A_277, %dma_wait3A_278, %dma_wait3A_279] : memref<5x32x768xf32, #tpu.memory_space<vmem>> -> memref<1x32x768xf32, #tpu.memory_space<vmem>>
    %dma_wait3A_281 = tpu.memref_squeeze %dma_wait3A_280 : memref<1x32x768xf32, #tpu.memory_space<vmem>> -> memref<32x768xf32, #tpu.memory_space<vmem>>
    %dma_wait3A_282 = arith.constant 160 : i32
    %dma_wait3A_283 = tpu.memref_slice %arg5[%dma_wait3A_282] : memref<256xi32, #tpu.memory_space<vmem>> -> memref<32xi32, #tpu.memory_space<vmem>>
    %dma_wait3A_284 = arith.constant 0 : i32
    %dma_wait3A_285 = arith.constant 0 : i32
    %dma_wait3A_286 = tpu.memref_slice %arg2[%dma_wait3A_284, %dma_wait3A_285] : memref<626x768xf32, #tpu.memory_space<hbm>> -> memref<626x768xf32, #tpu.memory_space<hbm>>
    tpu.wait_indirect_dma semaphore(%arg7 : memref<!tpu.dma_semaphore, #tpu.memory_space<semaphore_mem>>) src(%dma_wait3A_286 : memref<626x768xf32, #tpu.memory_space<hbm>>) dst(%dma_wait3A_281 : memref<32x768xf32, #tpu.memory_space<vmem>>)
    %add3A_287 = arith.constant 160 : i32
    %add3A_288 = arith.addi %mul3A_2, %add3A_287 : i32
    %dma_start3A_289 = arith.constant 0 : i32
    %dma_start3A_290 = arith.constant 0 : i32
    %dma_start3A_291 = arith.constant 0 : i32
    %dma_start3A_292 = tpu.memref_slice %arg6[%dma_start3A_289, %dma_start3A_290, %dma_start3A_291] : memref<5x32x768xf32, #tpu.memory_space<vmem>> -> memref<1x32x768xf32, #tpu.memory_space<vmem>>
    %dma_start3A_293 = tpu.memref_squeeze %dma_start3A_292 : memref<1x32x768xf32, #tpu.memory_space<vmem>> -> memref<32x768xf32, #tpu.memory_space<vmem>>
    %dma_start3A_294 = arith.constant 0 : i32
    %dma_start3A_295 = tpu.memref_slice %arg4[%add3A_288, %dma_start3A_294] : memref<8192x768xf32, #tpu.memory_space<hbm>> -> memref<32x768xf32, #tpu.memory_space<hbm>>
    %dma_start3A_296 = arith.constant 0 : i32
    %dma_start3A_297 = tpu.memref_slice %arg4[%add3A_288, %dma_start3A_296] : memref<8192x768xf32, #tpu.memory_space<hbm>> -> memref<32x768xf32, #tpu.memory_space<hbm>>
    %dma_start3A_298 = arith.constant 0 : i32
    %dma_start3A_299 = arith.constant 0 : i32
    %dma_start3A_300 = tpu.memref_slice %arg6[%dma_start3A_289, %dma_start3A_298, %dma_start3A_299] : memref<5x32x768xf32, #tpu.memory_space<vmem>> -> memref<1x32x768xf32, #tpu.memory_space<vmem>>
    %dma_start3A_301 = tpu.memref_squeeze %dma_start3A_300 : memref<1x32x768xf32, #tpu.memory_space<vmem>> -> memref<32x768xf32, #tpu.memory_space<vmem>>
    tpu.enqueue_dma source(%dma_start3A_301 : memref<32x768xf32, #tpu.memory_space<vmem>>) target(%dma_start3A_297 : memref<32x768xf32, #tpu.memory_space<hbm>>) target_semaphore(%arg12 : memref<!tpu.dma_semaphore, #tpu.memory_space<semaphore_mem>>)
    %dma_wait3A_302 = arith.constant 1 : i32
    %dma_wait3A_303 = arith.constant 0 : i32
    %dma_wait3A_304 = arith.constant 0 : i32
    %dma_wait3A_305 = tpu.memref_slice %arg6[%dma_wait3A_302, %dma_wait3A_303, %dma_wait3A_304] : memref<5x32x768xf32, #tpu.memory_space<vmem>> -> memref<1x32x768xf32, #tpu.memory_space<vmem>>
    %dma_wait3A_306 = tpu.memref_squeeze %dma_wait3A_305 : memref<1x32x768xf32, #tpu.memory_space<vmem>> -> memref<32x768xf32, #tpu.memory_space<vmem>>
    %dma_wait3A_307 = arith.constant 192 : i32
    %dma_wait3A_308 = tpu.memref_slice %arg5[%dma_wait3A_307] : memref<256xi32, #tpu.memory_space<vmem>> -> memref<32xi32, #tpu.memory_space<vmem>>
    %dma_wait3A_309 = arith.constant 0 : i32
    %dma_wait3A_310 = arith.constant 0 : i32
    %dma_wait3A_311 = tpu.memref_slice %arg2[%dma_wait3A_309, %dma_wait3A_310] : memref<626x768xf32, #tpu.memory_space<hbm>> -> memref<626x768xf32, #tpu.memory_space<hbm>>
    tpu.wait_indirect_dma semaphore(%arg8 : memref<!tpu.dma_semaphore, #tpu.memory_space<semaphore_mem>>) src(%dma_wait3A_311 : memref<626x768xf32, #tpu.memory_space<hbm>>) dst(%dma_wait3A_306 : memref<32x768xf32, #tpu.memory_space<vmem>>)
    %add3A_312 = arith.constant 192 : i32
    %add3A_313 = arith.addi %mul3A_2, %add3A_312 : i32
    %dma_start3A_314 = arith.constant 1 : i32
    %dma_start3A_315 = arith.constant 0 : i32
    %dma_start3A_316 = arith.constant 0 : i32
    %dma_start3A_317 = tpu.memref_slice %arg6[%dma_start3A_314, %dma_start3A_315, %dma_start3A_316] : memref<5x32x768xf32, #tpu.memory_space<vmem>> -> memref<1x32x768xf32, #tpu.memory_space<vmem>>
    %dma_start3A_318 = tpu.memref_squeeze %dma_start3A_317 : memref<1x32x768xf32, #tpu.memory_space<vmem>> -> memref<32x768xf32, #tpu.memory_space<vmem>>
    %dma_start3A_319 = arith.constant 0 : i32
    %dma_start3A_320 = tpu.memref_slice %arg4[%add3A_313, %dma_start3A_319] : memref<8192x768xf32, #tpu.memory_space<hbm>> -> memref<32x768xf32, #tpu.memory_space<hbm>>
    %dma_start3A_321 = arith.constant 0 : i32
    %dma_start3A_322 = tpu.memref_slice %arg4[%add3A_313, %dma_start3A_321] : memref<8192x768xf32, #tpu.memory_space<hbm>> -> memref<32x768xf32, #tpu.memory_space<hbm>>
    %dma_start3A_323 = arith.constant 0 : i32
    %dma_start3A_324 = arith.constant 0 : i32
    %dma_start3A_325 = tpu.memref_slice %arg6[%dma_start3A_314, %dma_start3A_323, %dma_start3A_324] : memref<5x32x768xf32, #tpu.memory_space<vmem>> -> memref<1x32x768xf32, #tpu.memory_space<vmem>>
    %dma_start3A_326 = tpu.memref_squeeze %dma_start3A_325 : memref<1x32x768xf32, #tpu.memory_space<vmem>> -> memref<32x768xf32, #tpu.memory_space<vmem>>
    tpu.enqueue_dma source(%dma_start3A_326 : memref<32x768xf32, #tpu.memory_space<vmem>>) target(%dma_start3A_322 : memref<32x768xf32, #tpu.memory_space<hbm>>) target_semaphore(%arg13 : memref<!tpu.dma_semaphore, #tpu.memory_space<semaphore_mem>>)
    %dma_wait3A_327 = arith.constant 2 : i32
    %dma_wait3A_328 = arith.constant 0 : i32
    %dma_wait3A_329 = arith.constant 0 : i32
    %dma_wait3A_330 = tpu.memref_slice %arg6[%dma_wait3A_327, %dma_wait3A_328, %dma_wait3A_329] : memref<5x32x768xf32, #tpu.memory_space<vmem>> -> memref<1x32x768xf32, #tpu.memory_space<vmem>>
    %dma_wait3A_331 = tpu.memref_squeeze %dma_wait3A_330 : memref<1x32x768xf32, #tpu.memory_space<vmem>> -> memref<32x768xf32, #tpu.memory_space<vmem>>
    %dma_wait3A_332 = arith.constant 224 : i32
    %dma_wait3A_333 = tpu.memref_slice %arg5[%dma_wait3A_332] : memref<256xi32, #tpu.memory_space<vmem>> -> memref<32xi32, #tpu.memory_space<vmem>>
    %dma_wait3A_334 = arith.constant 0 : i32
    %dma_wait3A_335 = arith.constant 0 : i32
    %dma_wait3A_336 = tpu.memref_slice %arg2[%dma_wait3A_334, %dma_wait3A_335] : memref<626x768xf32, #tpu.memory_space<hbm>> -> memref<626x768xf32, #tpu.memory_space<hbm>>
    tpu.wait_indirect_dma semaphore(%arg9 : memref<!tpu.dma_semaphore, #tpu.memory_space<semaphore_mem>>) src(%dma_wait3A_336 : memref<626x768xf32, #tpu.memory_space<hbm>>) dst(%dma_wait3A_331 : memref<32x768xf32, #tpu.memory_space<vmem>>)
    %add3A_337 = arith.constant 224 : i32
    %add3A_338 = arith.addi %mul3A_2, %add3A_337 : i32
    %dma_start3A_339 = arith.constant 2 : i32
    %dma_start3A_340 = arith.constant 0 : i32
    %dma_start3A_341 = arith.constant 0 : i32
    %dma_start3A_342 = tpu.memref_slice %arg6[%dma_start3A_339, %dma_start3A_340, %dma_start3A_341] : memref<5x32x768xf32, #tpu.memory_space<vmem>> -> memref<1x32x768xf32, #tpu.memory_space<vmem>>
    %dma_start3A_343 = tpu.memref_squeeze %dma_start3A_342 : memref<1x32x768xf32, #tpu.memory_space<vmem>> -> memref<32x768xf32, #tpu.memory_space<vmem>>
    %dma_start3A_344 = arith.constant 0 : i32
    %dma_start3A_345 = tpu.memref_slice %arg4[%add3A_338, %dma_start3A_344] : memref<8192x768xf32, #tpu.memory_space<hbm>> -> memref<32x768xf32, #tpu.memory_space<hbm>>
    %dma_start3A_346 = arith.constant 0 : i32
    %dma_start3A_347 = tpu.memref_slice %arg4[%add3A_338, %dma_start3A_346] : memref<8192x768xf32, #tpu.memory_space<hbm>> -> memref<32x768xf32, #tpu.memory_space<hbm>>
    %dma_start3A_348 = arith.constant 0 : i32
    %dma_start3A_349 = arith.constant 0 : i32
    %dma_start3A_350 = tpu.memref_slice %arg6[%dma_start3A_339, %dma_start3A_348, %dma_start3A_349] : memref<5x32x768xf32, #tpu.memory_space<vmem>> -> memref<1x32x768xf32, #tpu.memory_space<vmem>>
    %dma_start3A_351 = tpu.memref_squeeze %dma_start3A_350 : memref<1x32x768xf32, #tpu.memory_space<vmem>> -> memref<32x768xf32, #tpu.memory_space<vmem>>
    tpu.enqueue_dma source(%dma_start3A_351 : memref<32x768xf32, #tpu.memory_space<vmem>>) target(%dma_start3A_347 : memref<32x768xf32, #tpu.memory_space<hbm>>) target_semaphore(%arg14 : memref<!tpu.dma_semaphore, #tpu.memory_space<semaphore_mem>>)
    %dma_wait3A_352 = arith.constant 3 : i32
    %dma_wait3A_353 = arith.constant 0 : i32
    %dma_wait3A_354 = arith.constant 0 : i32
    %dma_wait3A_355 = tpu.memref_slice %arg6[%dma_wait3A_352, %dma_wait3A_353, %dma_wait3A_354] : memref<5x32x768xf32, #tpu.memory_space<vmem>> -> memref<1x32x768xf32, #tpu.memory_space<vmem>>
    %dma_wait3A_356 = tpu.memref_squeeze %dma_wait3A_355 : memref<1x32x768xf32, #tpu.memory_space<vmem>> -> memref<32x768xf32, #tpu.memory_space<vmem>>
    %dma_wait3A_357 = arith.constant 0 : i32
    %dma_wait3A_358 = tpu.memref_slice %arg4[%add3A_215, %dma_wait3A_357] : memref<8192x768xf32, #tpu.memory_space<hbm>> -> memref<32x768xf32, #tpu.memory_space<hbm>>
    %dma_wait3A_359 = arith.constant 0 : i32
    %dma_wait3A_360 = tpu.memref_slice %arg4[%add3A_215, %dma_wait3A_359] : memref<8192x768xf32, #tpu.memory_space<hbm>> -> memref<32x768xf32, #tpu.memory_space<hbm>>
    %dma_wait3A_361 = arith.constant 0 : i32
    %dma_wait3A_362 = arith.constant 0 : i32
    %dma_wait3A_363 = tpu.memref_slice %arg6[%dma_wait3A_352, %dma_wait3A_361, %dma_wait3A_362] : memref<5x32x768xf32, #tpu.memory_space<vmem>> -> memref<1x32x768xf32, #tpu.memory_space<vmem>>
    %dma_wait3A_364 = tpu.memref_squeeze %dma_wait3A_363 : memref<1x32x768xf32, #tpu.memory_space<vmem>> -> memref<32x768xf32, #tpu.memory_space<vmem>>
    tpu.wait_dma2 semaphore(%arg15 : memref<!tpu.dma_semaphore, #tpu.memory_space<semaphore_mem>>) src(%dma_wait3A_364 : memref<32x768xf32, #tpu.memory_space<vmem>>) dst(%dma_wait3A_360 : memref<32x768xf32, #tpu.memory_space<hbm>>)
    %dma_wait3A_365 = arith.constant 4 : i32
    %dma_wait3A_366 = arith.constant 0 : i32
    %dma_wait3A_367 = arith.constant 0 : i32
    %dma_wait3A_368 = tpu.memref_slice %arg6[%dma_wait3A_365, %dma_wait3A_366, %dma_wait3A_367] : memref<5x32x768xf32, #tpu.memory_space<vmem>> -> memref<1x32x768xf32, #tpu.memory_space<vmem>>
    %dma_wait3A_369 = tpu.memref_squeeze %dma_wait3A_368 : memref<1x32x768xf32, #tpu.memory_space<vmem>> -> memref<32x768xf32, #tpu.memory_space<vmem>>
    %dma_wait3A_370 = arith.constant 0 : i32
    %dma_wait3A_371 = tpu.memref_slice %arg4[%add3A_263, %dma_wait3A_370] : memref<8192x768xf32, #tpu.memory_space<hbm>> -> memref<32x768xf32, #tpu.memory_space<hbm>>
    %dma_wait3A_372 = arith.constant 0 : i32
    %dma_wait3A_373 = tpu.memref_slice %arg4[%add3A_263, %dma_wait3A_372] : memref<8192x768xf32, #tpu.memory_space<hbm>> -> memref<32x768xf32, #tpu.memory_space<hbm>>
    %dma_wait3A_374 = arith.constant 0 : i32
    %dma_wait3A_375 = arith.constant 0 : i32
    %dma_wait3A_376 = tpu.memref_slice %arg6[%dma_wait3A_365, %dma_wait3A_374, %dma_wait3A_375] : memref<5x32x768xf32, #tpu.memory_space<vmem>> -> memref<1x32x768xf32, #tpu.memory_space<vmem>>
    %dma_wait3A_377 = tpu.memref_squeeze %dma_wait3A_376 : memref<1x32x768xf32, #tpu.memory_space<vmem>> -> memref<32x768xf32, #tpu.memory_space<vmem>>
    tpu.wait_dma2 semaphore(%arg16 : memref<!tpu.dma_semaphore, #tpu.memory_space<semaphore_mem>>) src(%dma_wait3A_377 : memref<32x768xf32, #tpu.memory_space<vmem>>) dst(%dma_wait3A_373 : memref<32x768xf32, #tpu.memory_space<hbm>>)
    %dma_wait3A_378 = arith.constant 0 : i32
    %dma_wait3A_379 = arith.constant 0 : i32
    %dma_wait3A_380 = arith.constant 0 : i32
    %dma_wait3A_381 = tpu.memref_slice %arg6[%dma_wait3A_378, %dma_wait3A_379, %dma_wait3A_380] : memref<5x32x768xf32, #tpu.memory_space<vmem>> -> memref<1x32x768xf32, #tpu.memory_space<vmem>>
    %dma_wait3A_382 = tpu.memref_squeeze %dma_wait3A_381 : memref<1x32x768xf32, #tpu.memory_space<vmem>> -> memref<32x768xf32, #tpu.memory_space<vmem>>
    %dma_wait3A_383 = arith.constant 0 : i32
    %dma_wait3A_384 = tpu.memref_slice %arg4[%add3A_288, %dma_wait3A_383] : memref<8192x768xf32, #tpu.memory_space<hbm>> -> memref<32x768xf32, #tpu.memory_space<hbm>>
    %dma_wait3A_385 = arith.constant 0 : i32
    %dma_wait3A_386 = tpu.memref_slice %arg4[%add3A_288, %dma_wait3A_385] : memref<8192x768xf32, #tpu.memory_space<hbm>> -> memref<32x768xf32, #tpu.memory_space<hbm>>
    %dma_wait3A_387 = arith.constant 0 : i32
    %dma_wait3A_388 = arith.constant 0 : i32
    %dma_wait3A_389 = tpu.memref_slice %arg6[%dma_wait3A_378, %dma_wait3A_387, %dma_wait3A_388] : memref<5x32x768xf32, #tpu.memory_space<vmem>> -> memref<1x32x768xf32, #tpu.memory_space<vmem>>
    %dma_wait3A_390 = tpu.memref_squeeze %dma_wait3A_389 : memref<1x32x768xf32, #tpu.memory_space<vmem>> -> memref<32x768xf32, #tpu.memory_space<vmem>>
    tpu.wait_dma2 semaphore(%arg12 : memref<!tpu.dma_semaphore, #tpu.memory_space<semaphore_mem>>) src(%dma_wait3A_390 : memref<32x768xf32, #tpu.memory_space<vmem>>) dst(%dma_wait3A_386 : memref<32x768xf32, #tpu.memory_space<hbm>>)
    %dma_wait3A_391 = arith.constant 1 : i32
    %dma_wait3A_392 = arith.constant 0 : i32
    %dma_wait3A_393 = arith.constant 0 : i32
    %dma_wait3A_394 = tpu.memref_slice %arg6[%dma_wait3A_391, %dma_wait3A_392, %dma_wait3A_393] : memref<5x32x768xf32, #tpu.memory_space<vmem>> -> memref<1x32x768xf32, #tpu.memory_space<vmem>>
    %dma_wait3A_395 = tpu.memref_squeeze %dma_wait3A_394 : memref<1x32x768xf32, #tpu.memory_space<vmem>> -> memref<32x768xf32, #tpu.memory_space<vmem>>
    %dma_wait3A_396 = arith.constant 0 : i32
    %dma_wait3A_397 = tpu.memref_slice %arg4[%add3A_313, %dma_wait3A_396] : memref<8192x768xf32, #tpu.memory_space<hbm>> -> memref<32x768xf32, #tpu.memory_space<hbm>>
    %dma_wait3A_398 = arith.constant 0 : i32
    %dma_wait3A_399 = tpu.memref_slice %arg4[%add3A_313, %dma_wait3A_398] : memref<8192x768xf32, #tpu.memory_space<hbm>> -> memref<32x768xf32, #tpu.memory_space<hbm>>
    %dma_wait3A_400 = arith.constant 0 : i32
    %dma_wait3A_401 = arith.constant 0 : i32
    %dma_wait3A_402 = tpu.memref_slice %arg6[%dma_wait3A_391, %dma_wait3A_400, %dma_wait3A_401] : memref<5x32x768xf32, #tpu.memory_space<vmem>> -> memref<1x32x768xf32, #tpu.memory_space<vmem>>
    %dma_wait3A_403 = tpu.memref_squeeze %dma_wait3A_402 : memref<1x32x768xf32, #tpu.memory_space<vmem>> -> memref<32x768xf32, #tpu.memory_space<vmem>>
    tpu.wait_dma2 semaphore(%arg13 : memref<!tpu.dma_semaphore, #tpu.memory_space<semaphore_mem>>) src(%dma_wait3A_403 : memref<32x768xf32, #tpu.memory_space<vmem>>) dst(%dma_wait3A_399 : memref<32x768xf32, #tpu.memory_space<hbm>>)
    %dma_wait3A_404 = arith.constant 2 : i32
    %dma_wait3A_405 = arith.constant 0 : i32
    %dma_wait3A_406 = arith.constant 0 : i32
    %dma_wait3A_407 = tpu.memref_slice %arg6[%dma_wait3A_404, %dma_wait3A_405, %dma_wait3A_406] : memref<5x32x768xf32, #tpu.memory_space<vmem>> -> memref<1x32x768xf32, #tpu.memory_space<vmem>>
    %dma_wait3A_408 = tpu.memref_squeeze %dma_wait3A_407 : memref<1x32x768xf32, #tpu.memory_space<vmem>> -> memref<32x768xf32, #tpu.memory_space<vmem>>
    %dma_wait3A_409 = arith.constant 0 : i32
    %dma_wait3A_410 = tpu.memref_slice %arg4[%add3A_338, %dma_wait3A_409] : memref<8192x768xf32, #tpu.memory_space<hbm>> -> memref<32x768xf32, #tpu.memory_space<hbm>>
    %dma_wait3A_411 = arith.constant 0 : i32
    %dma_wait3A_412 = tpu.memref_slice %arg4[%add3A_338, %dma_wait3A_411] : memref<8192x768xf32, #tpu.memory_space<hbm>> -> memref<32x768xf32, #tpu.memory_space<hbm>>
    %dma_wait3A_413 = arith.constant 0 : i32
    %dma_wait3A_414 = arith.constant 0 : i32
    %dma_wait3A_415 = tpu.memref_slice %arg6[%dma_wait3A_404, %dma_wait3A_413, %dma_wait3A_414] : memref<5x32x768xf32, #tpu.memory_space<vmem>> -> memref<1x32x768xf32, #tpu.memory_space<vmem>>
    %dma_wait3A_416 = tpu.memref_squeeze %dma_wait3A_415 : memref<1x32x768xf32, #tpu.memory_space<vmem>> -> memref<32x768xf32, #tpu.memory_space<vmem>>
    tpu.wait_dma2 semaphore(%arg14 : memref<!tpu.dma_semaphore, #tpu.memory_space<semaphore_mem>>) src(%dma_wait3A_416 : memref<32x768xf32, #tpu.memory_space<vmem>>) dst(%dma_wait3A_412 : memref<32x768xf32, #tpu.memory_space<hbm>>)
    return
  }
}

module attributes {stable_mosaic.version = 14 : i64} {
  func.func @_sum_tables_body(%arg0: memref<626x4x768xf32, #tpu.memory_space<vmem>>, %arg1: memref<626x768xf32, #tpu.memory_space<vmem>>) attributes {dimension_semantics = [], scalar_prefetch = 0 : i64, scratch_operands = 0 : i64, tpu.core_type = #tpu.core_type<tc>} {
    %get3A = arith.constant 0 : index
    %get3A_0 = arith.constant 0 : index
    %get3A_1 = arith.constant 0 : index
    %get3A_2 = vector.load %arg0[%get3A, %get3A_0, %get3A_1] : memref<626x4x768xf32, #tpu.memory_space<vmem>>, vector<626x1x768xf32>
    %get3A_3 = vector.shape_cast %get3A_2 : vector<626x1x768xf32> to vector<626x768xf32>
    %get3A_4 = arith.constant 0 : index
    %get3A_5 = arith.constant 1 : index
    %get3A_6 = arith.constant 0 : index
    %get3A_7 = vector.load %arg0[%get3A_4, %get3A_5, %get3A_6] : memref<626x4x768xf32, #tpu.memory_space<vmem>>, vector<626x1x768xf32>
    %get3A_8 = vector.shape_cast %get3A_7 : vector<626x1x768xf32> to vector<626x768xf32>
    %add3A = arith.addf %get3A_3, %get3A_8 : vector<626x768xf32>
    %get3A_9 = arith.constant 0 : index
    %get3A_10 = arith.constant 2 : index
    %get3A_11 = arith.constant 0 : index
    %get3A_12 = vector.load %arg0[%get3A_9, %get3A_10, %get3A_11] : memref<626x4x768xf32, #tpu.memory_space<vmem>>, vector<626x1x768xf32>
    %get3A_13 = vector.shape_cast %get3A_12 : vector<626x1x768xf32> to vector<626x768xf32>
    %get3A_14 = arith.constant 0 : index
    %get3A_15 = arith.constant 3 : index
    %get3A_16 = arith.constant 0 : index
    %get3A_17 = vector.load %arg0[%get3A_14, %get3A_15, %get3A_16] : memref<626x4x768xf32, #tpu.memory_space<vmem>>, vector<626x1x768xf32>
    %get3A_18 = vector.shape_cast %get3A_17 : vector<626x1x768xf32> to vector<626x768xf32>
    %add3A_19 = arith.addf %get3A_13, %get3A_18 : vector<626x768xf32>
    %add3A_20 = arith.addf %add3A, %add3A_19 : vector<626x768xf32>
    %swap3A = arith.constant 0 : index
    %swap3A_21 = arith.constant 0 : index
    %swap3A_22 = vector.load %arg1[%swap3A, %swap3A_21] : memref<626x768xf32, #tpu.memory_space<vmem>>, vector<626x768xf32>
    tpu.vector_store %arg1[%swap3A, %swap3A_21], %add3A_20 {strides = array<i32>} : memref<626x768xf32, #tpu.memory_space<vmem>>, vector<626x768xf32>,
    return
  }
}

</mosaic_0001>

<sc_bundles>
// kernel: kernel.4.cloned.1.call-start
scs
__scs_entry_jumppad:
0x0: {  	(pc) =	sbr.rel $0x88, $3  }
0x1: {  	(tag) =	ssettag $0x0;
	lr =	simm.s32 $0x1  }
0x2: {  	[smem:$0x3F9F] =	sst lr;
	_ =	strace $0xD0000000  }
0x3: {  	_ = 	snop  }
0x4: {  	_ = 	snop  }
0x5: {  	_ = 	snop  }
0x6: {  	_ = 	snop  }
0x7: {  	_ = 	snop  }
__scs_overlays_trampoline_lowered:
0x8: {  	[smem:$0x3FAE] =	sst s0  }
0x9: {  	[smem:$0x3FAF] =	sst s1  }
0xa: {  	[smem:$0x3FB0] =	sst s2  }
0xb: {  	[smem:$0x3FB1] =	sst s3  }
0xc: {  	[smem:$0x3FB2] =	sst s4  }
0xd: {  	[smem:$0x3FB3] =	sst s5  }
0xe: {  	[smem:$0x3FB4] =	sst s6  }
0xf: {  	[smem:$0x3FB5] =	sst s7  }
0x10: {  	[smem:$0x3FB6] =	sst s8  }
0x11: {  	[smem:$0x3FB7] =	sst s9;
	s0 =	simm.s32 @!p0 $0x0  }
0x12: {  	s1 =	sld [smem:$0x3F9D];
	s0 =	simm.s32 @p0 $0x1  }
0x13: {  	[smem:$0x3FB8] =	sst s0;
	s0 =	simm.s32 @!p1 $0x0  }
0x14: {  	s2 =	sld [smem:$0x3F9C];
	s0 =	simm.s32 @p1 $0x1  }
0x15: {  	[smem:$0x3FB9] =	sst s0;
	s0 =	simm.s32 @!p2 $0x0  }
0x16: {  	s3 =	sld [smem:$0x3FDB];
	s0 =	simm.s32 @p2 $0x1  }
0x17: {  	s4 =	simm.s32 $0x1BF5;
	[smem:$0x3FBB] =	sst s0  }
0x18: {  	s0 =	sld [smem:$0x3F9E];
	_ =	swait.ge [sflag:s4], $0x0  }
0x19: {  	s7 =	sld [smem:$0x3F9F]  }
0x1a: {  	s8 =	sadd.s32 $0xFFFFE003, lr  }
0x1b: {  	s9 =	sadd.s32 $0xFFFFFEF7, lr;
	s5 =	simm.s32 $0xFFFFFFFF;
	p2 =	slt.u32 s8, $0xFFFFF086  }
0x1c: {  	p1 =	slt.u32 s9, $0xF7A;
	s5 =	simm.s32 @!p2 $0x0  }
0x1d: {  	s5 =	simm.s32 @p1 $0x1;
	p0 =	seq.s32 s7, s2  }
0x1e: {  	s7 =	smul.u32 @!p0 $0xF7A, s2;
	p2 =	seq.s32 @!p0 s5, $0x0  }
0x1f: {  	s9 =	smul.u32 $0xF7A, s1;
	s8 =	simm.s32 @!p0 $0x1BF5;
	p2 =	por !p2, p0  }
0x20: {  	[sflag:s8] =	ssyncset.s32 @!p0 $0xFFFFF086;
	s6 =	sadd.s32 @!p0 s3, s7;
	s7 =	simm.s32 @!p0 $0x108  }
0x21: {  	s3 =	sadd.s32 s3, s9;
	s6 =	sadd.s32 @!p0 $0x88, s6;
	s7 =	simm.s32 @p2 $0x1082  }
0x22: {  	[simem:s7], [sflag:s8] =	dma.local @!p0 [hbm:s6], $0xF7A  }
0x23: {  	s9 =	sor.u32 $0xD0000000, s2;
	s6 =	simm.s32 $0x108;
	_ =	swait.ge @!p0 [sflag:s8], $0x0  }
0x24: {  	s3 =	sadd.s32 $0x88, s3;
	s6 =	simm.s32 @!p1 $0x1082;
	[sflag:s4] =	ssyncset.s32 $0xFFFFF086  }
0x25: {  	[simem:s6], [sflag:s4] =	dma.local [hbm:s3], $0xF7A  }
0x26: {  	[smem:$0x3F9F] =	sst s1;
	(tag) =	ssettag s2;
	_ =	strace s9  }
0x27: {  	s1 =	sld [smem:$0x3FAF]  }
0x28: {  	s2 =	sld [smem:$0x3FB0]  }
0x29: {  	s4 =	sld [smem:$0x3FB2]  }
0x2a: {  	p0 =	seq.s32 s5, $0x0;
	s5 =	sld [smem:$0x3FB3]  }
0x2b: {  	s6 =	sld [smem:$0x3FB4]  }
0x2c: {  	s7 =	sld [smem:$0x3FB5]  }
0x2d: {  	s3 =	simm.s32 $0x108;
	s8 =	sld [smem:$0x3FB6]  }
0x2e: {  	s3 =	simm.s32 @!p0 $0x1082;
	s9 =	sld [smem:$0x3FB7]  }
0x2f: {  	lr =	sadd.s32 s0, s3;
	s0 =	sld [smem:$0x3FAE]  }
0x30: {  	s3 =	sld [smem:$0x3FB1]  }
0x31: {  	[smem:$0x3FBA] =	sst s10  }
0x32: {  	s10 =	sld [smem:$0x3FB8];
	_ =	sdelay $0x3  }
0x33: {  	p0 =	seq.s32 s10, $0x1;
	s10 =	sld [smem:$0x3FBA];
	_ =	sdelay $0x3  }
0x34: {  	[smem:$0x3FBA] =	sst s10  }
0x35: {  	s10 =	sld [smem:$0x3FB9];
	_ =	sdelay $0x3  }
0x36: {  	p1 =	seq.s32 s10, $0x1;
	s10 =	sld [smem:$0x3FBA];
	_ =	sdelay $0x3  }
0x37: {  	[smem:$0x3FBA] =	sst s10  }
0x38: {  	s10 =	sld [smem:$0x3FBB]  }
0x39: {  	_ = 	snop;
	(pc) =	sbr.ind lr, $3  }
0x3a: {  	_ = 	snop  }
0x3b: {  	_ = 	snop  }
0x3c: {  	p2 =	seq.s32 s10, $0x1;
	s10 =	sld [smem:$0x3FBA]  }
0x3d: {  	_ =	shalt  }
0x3e: {  	_ =	shalt  }
0x3f: {  	_ =	shalt  }
0x40: {  	_ =	shalt  }
0x41: {  	_ =	shalt  }
0x42: {  	_ =	shalt  }
0x43: {  	_ =	shalt  }
0x44: {  	_ =	shalt  }
0x45: {  	_ =	shalt  }
0x46: {  	_ =	shalt  }
0x47: {  	_ =	shalt  }
0x48: {  	_ =	shalt  }
0x49: {  	_ =	shalt  }
0x4a: {  	_ =	shalt  }
0x4b: {  	_ =	shalt  }
0x4c: {  	_ =	shalt  }
0x4d: {  	_ =	shalt  }
0x4e: {  	_ =	shalt  }
0x4f: {  	_ =	shalt  }
0x50: {  	_ =	shalt  }
0x51: {  	_ =	shalt  }
0x52: {  	_ =	shalt  }
0x53: {  	_ =	shalt  }
0x54: {  	_ =	shalt  }
0x55: {  	_ =	shalt  }
0x56: {  	_ =	shalt  }
0x57: {  	_ =	shalt  }
0x58: {  	_ =	shalt  }
0x59: {  	_ =	shalt  }
0x5a: {  	_ =	shalt  }
0x5b: {  	_ =	shalt  }
0x5c: {  	_ =	shalt  }
0x5d: {  	_ =	shalt  }
0x5e: {  	_ =	shalt  }
0x5f: {  	_ =	shalt  }
0x60: {  	_ =	shalt  }
0x61: {  	_ =	shalt  }
0x62: {  	_ =	shalt  }
0x63: {  	_ =	shalt  }
0x64: {  	_ =	shalt  }
0x65: {  	_ =	shalt  }
0x66: {  	_ =	shalt  }
0x67: {  	_ =	shalt  }
0x68: {  	_ =	shalt  }
0x69: {  	_ =	shalt  }
0x6a: {  	_ =	shalt  }
0x6b: {  	_ =	shalt  }
0x6c: {  	_ =	shalt  }
0x6d: {  	_ =	shalt  }
0x6e: {  	_ =	shalt  }
0x6f: {  	_ =	shalt  }
0x70: {  	_ =	shalt  }
0x71: {  	_ =	shalt  }
0x72: {  	_ =	shalt  }
0x73: {  	_ =	shalt  }
0x74: {  	_ =	shalt  }
0x75: {  	_ =	shalt  }
0x76: {  	_ =	shalt  }
0x77: {  	_ =	shalt  }
0x78: {  	_ =	shalt  }
0x79: {  	_ =	shalt  }
0x7a: {  	_ =	shalt  }
0x7b: {  	_ =	shalt  }
0x7c: {  	_ =	shalt  }
0x7d: {  	_ =	shalt  }
0x7e: {  	_ =	shalt  }
0x7f: {  	_ =	shalt  }
0x80: {  	_ =	shalt  }
0x81: {  	_ =	shalt  }
0x82: {  	_ =	shalt  }
0x83: {  	_ =	shalt  }
0x84: {  	_ =	shalt  }
0x85: {  	_ =	shalt  }
0x86: {  	_ =	shalt  }
0x87: {  	_ =	shalt  }
.Lfunc_end0:
.L_simem_size_0:
called_computation_lowered:
.L_overlay_start_0:
0x88: {  	s2 =	sld [smem:$0x3FD9]  }
0x89: {  	s3 =	sld [smem:$0x3FFE];
	_ =	sdelay $0x1  }
0x8a: {  	s1 =	srdreg.scid  }
0x8b: {  	s0 =	sand.u32 $0x1, s1  }
0x8c: {  	s17 =	sshll.u32 s0, $0xA;
	s2 =	sadd.s32 s3, s2  }
0x8d: {  	s2 =	sadd.s32 s2, s17  }
0x8e: {  	[smem:$0x3FC6] =	sst s2  }
0x8f: {  	_ = 	snop  }
0x90: {  	s2 =	sld [smem:$0x3FC9]  }
0x91: {  	s18 =	sld [smem:$0x3FD0];
	(tm) =	ssettm $0x1  }
0x92: {  	s4 =	sld [smem:$0x3FFB];
	_ =	sdelay $0x3  }
0x93: {  	_ =	strace s4  }
0x94: {  	s4 =	sld [smem:$0x3FFC];
	_ =	sdelay $0x3  }
0x95: {  	_ =	strace s4  }
0x96: {  	s4 =	sld [smem:$0x3FFD];
	_ =	sdelay $0x3  }
0x97: {  	_ =	strace s4  }
0x98: {  	_ =	strace $0x8FFFFFFF  }
0x99: {  	s19 =	sld [smem:$0x3FDB];
	_ =	sdelay $0x1  }
0x9a: {  	s5 =	simm.s32 $_scs_section_size  }
0x9b: {  	s6 =	simm.s32 $_size__tile_overlayer_lowered;
	s7 =	simm.s32 $_tile_overlayer_lowered  }
0x9c: {  	s22 =	simm.s32 $0x1BFF;
	s21 =	sshll.u32 s7, $0x1;
	s4 =	sadd.s32 s5, s19  }
0x9d: {  	s8 =	simm.s32 $0x0;
	s20 =	sshll.u32 s6, $0x1;
	s6 =	sadd.s32 s21, s4  }
0x9e: {  	[timem:s8], [sflag:s22] =	dma.local [hbm:s6], s20  }
0x9f: {  	_ =	swait.ge [sflag:s22], s20  }
0xa0: {  	s5 =	ssub.s32 $0x0, s20;
	[sflag:s22] =	ssyncset.done $0x0  }
0xa1: {  	[sflag:s22] =	ssyncadd.s32 s5;
	_ =	sdelay $0x1  }
0xa2: {  	s23 =	simm.s32 $0x1B8B  }
0xa3: {  	_ =	swait.ge [sflag:s23], $0x1  }
0xa4: {  	[sflag:s23] =	ssyncset.done $0x0  }
0xa5: {  	s25 =	simm.s32 $0x1B8E;
	s24 =	sld [smem:$0x3FFE];
	[sflag:s23] =	ssyncadd.s32 $0xFFFFFFFF  }
0xa6: {  	s26 =	simm.s32 $execute0_lowered;
	[smem:$0x3FD2] =	sst s25  }
0xa7: {  	s6 =	sshll.u32 s26, $0x1;
	_ =	strace $0x80000046;
	[dreg:$0x1] =	wrdreg $0xFFFFFFFF  }
0xa8: {  	s28 =	simm.s32 $_size_execute0_lowered;
	s4 =	sadd.s32 s4, s6;
	[dreg:$0x0] =	wrdreg $0x0  }
0xa9: {  	s6 =	sshll.u32 s28, $0x1;
	[dreg:$0x2] =	wrdreg s4  }
0xaa: {  	[dreg:$0x3] =	wrdreg s6  }
0xab: {  	[dreg:$0x4] =	wrdreg $0xC0  }
0xac: {  	_ =	task [dreg:s8], $0x5FFFF  }
0xad: {  	[dreg:$0x1] =	wrdreg $0xFFFFFFFF  }
0xae: {  	[dreg:$0x0] =	wrdreg $0x60  }
0xaf: {  	[dreg:$0x2] =	wrdreg s24  }
0xb0: {  	[dreg:$0x3] =	wrdreg s2  }
0xb1: {  	[dreg:$0x4] =	wrdreg s18  }
0xb2: {  	[dreg:$0x5] =	wrdreg $0x9  }
0xb3: {  	_ =	task.clear_ibuf [dreg:s8], $0x6FFFF;
	_ =	strace $0x90000046  }
0xb4: {  	s29 =	simm.s32 $0x9;
	_ =	strace $0x80000048  }
0xb5: {  	_ =	swait.ge [sflag:s29], $0x1  }
0xb6: {  	[sflag:s29] =	ssyncadd.s32 $0xFFFFFFFF  }
0xb7: {  	_ =	strace $0x90000048  }
0xb8: {  	_ =	sfence  }
0xb9: {  	s30 =	sld [smem:$0x0];
	_ =	sdelay $0x2  }
0xba: {  	s31 =	sshll.u32 s1, $0xD;
	s1 =	sshrl.u32 s1, $0x2  }
0xbb: {  	s3 =	sand.u32 $0x4000, s31;
	s1 =	sadd.s32 s1, s30  }
0xbc: {  	s0 =	sor.u32 s3, s0;
	s1 =	sshll.u32 s1, $0x11  }
0xbd: {  	s0 =	sor.u32 s1, s0  }
0xbe: {  	s0 =	sadd.s32 $0x8F2B, s0  }
0xbf: {  	[sflag:s0] =	ssyncadd.remote.s32 $0x1  }
0xc0: {  	_ =	sfence.sel $0xFFFF  }
0xc1: {  	[dreg:$0x0] =	wrdreg $0xFFFFFFFF;
	(pc) =	sbr.abs _section_cstart, $3  }
0xc2: {  	[dreg:$0x1] =	wrdreg $0xFFFFFFFF  }
0xc3: {  	_ =	task.clear_ibuf [dreg:s8], $0x2FFFF;
	_ =	strace $0x9FFFFFFF  }
0xc4: {  	(tm) =	ssettm $0x7FFFFFFF  }
0xc5: {  	_ =	shalt  }
tec
execute0_lowered:
.L_overlay_start_1:
0x0: {  	(tag) =	ssettag $0x1  }
0x1: {  	s0 =	srdreg.scid  }
0x2: {  	s0 =	sand.u32 $0x1, s0  }
0x3: {  	s2 =	stileid.u32;
	s1 =	sshll.u32 s0, $0x4  }
0x4: {  	s1 =	sor.u32 s2, s1;
	s2 =	sand.u32 $0x7, s2  }
0x5: {  	p0 =	seq.s32 s1, $0x0;
	p1 =	sne.s32 s2, $0x0  }
0x6: {  	p0 =	por !p1, !p0  }
0x7: {  	s3 =	simm.s32 $0x1;
	p0 =	por !p0, !p0  }
0x8: {  	s7 =	rddreg [dreg:$0x0];
	s4 =	sshrl.u32 s1, $0x3;
	s3 =	simm.s32 @!p0 $0x0  }
0x9: {  	s5 =	rddreg [dreg:$0x1];
	s3 =	ssub.s32 s4, s3  }
0xa: {  	s14 =	rddreg [dreg:$0x2];
	s15 =	smul.u32 $0x6000, s1;
	s6 =	sshll.u32 s3, $0xB  }
0xb: {  	s2 =	sshll.u32 s2, $0xA;
	s1 =	smul.u32 $0x30000, s1;
	s6 =	sand.u32 $0xFFFFE000, s6  }
0xc: {  	s16 =	sadd.s32 s14, s15;
	s6 =	sor.u32 s2, s6;
	s2 =	simm.s32 $0x0  }
0xd: {  	s17 =	sadd.s32 $0xC00, s16;
	[smem:$0x7FF] =	sst s2  }
0xe: {  	s1 =	sshrl.u32 s1, $0x3;
	_ =	strace $0x80000047;
	[dreg:$0x5] =	wrdreg s17  }
0xf: {  	s18 =	sadd.s32 $0x1800, s16;
	s1 =	sadd.s32 s14, s1;
	[smem:$0x7F9] =	sst s16  }
0x10: {  	s19 =	sadd.s32 $0x2400, s1;
	[dreg:$0x6] =	wrdreg s18  }
0x11: {  	s20 =	sadd.s32 $0x3000, s1;
	[dreg:$0x7] =	wrdreg s19  }
0x12: {  	s21 =	sadd.s32 $0x3C00, s1;
	[dreg:$0x8] =	wrdreg s20  }
0x13: {  	s22 =	sadd.s32 $0x4800, s1;
	[dreg:$0x9] =	wrdreg s21  }
0x14: {  	s1 =	sadd.s32 $0x5400, s1;
	[dreg:$0xa] =	wrdreg s22  }
0x15: {  	s23 =	simm.s32 $0x80;
	[dreg:$0xb] =	wrdreg s1  }
0x16: {  	s24 =	simm.s32 $0x200;
	[dreg:$0xc] =	wrdreg s23  }
0x17: {  	s26 =	simm.s32 $0x12900;
	s8 =	simm.s32 $0x14100;
	[dreg:$0xd] =	wrdreg s24  }
0x18: {  	s9 =	simm.s32 $0x14900;
	s10 =	simm.s32 $0x15100;
	[dreg:$0xe] =	wrdreg s26  }
0x19: {  	s11 =	simm.s32 $0x15900;
	s12 =	simm.s32 $0x16100;
	[dreg:$0x11] =	wrdreg s8  }
0x1a: {  	s13 =	simm.s32 $0x16900;
	s28 =	simm.s32 $0x6;
	[dreg:$0x12] =	wrdreg s9  }
0x1b: {  	s29 =	simm.s32 $0x3;
	s0 =	ssub.s32 $0x2, s0;
	[dreg:$0x13] =	wrdreg s10  }
0x1c: {  	s30 =	simm.s32 $0x7;
	s25 =	sshrl.u32 s0, $0x1;
	[dreg:$0x14] =	wrdreg s11  }
0x1d: {  	s31 =	simm.s32 $0x6900;
	s0 =	ssub.s32 s0, s25;
	[dreg:$0x15] =	wrdreg s12  }
0x1e: {  	s25 =	simm.s32 $0x1D100;
	s14 =	simm.s32 $0x17100;
	[dreg:$0x16] =	wrdreg s13  }
0x1f: {  	s15 =	simm.s32 $0x17900;
	s3 =	sshll.u32 s3, $0x7;
	[dreg:$0x17] =	wrdreg s14  }
0x20: {  	s4 =	sadd.s32 $0x800, s7;
	s3 =	sand.u32 $0x180, s3;
	[dreg:$0x18] =	wrdreg s15  }
0x21: {  	s3 =	sor.u32 s3, s6;
	s16 =	simm.s32 $0x18900;
	[smem:$0x7FC] =	sst s25  }
0x22: {  	s6 =	sadd.s32 $0x900, s7;
	s17 =	simm.s32 $0x19100;
	[dreg:$0x19] =	wrdreg s16  }
0x23: {  	s7 =	sadd.s32 $0xA00, s7;
	s18 =	simm.s32 $0x19900;
	[dreg:$0x1a] =	wrdreg s17  }
0x24: {  	s3 =	sshrl.u32 s3, $0x3;
	s19 =	simm.s32 $0x1A100;
	[dreg:$0x1b] =	wrdreg s18  }
0x25: {  	s8 =	smax.u32 s0, $0x1;
	s20 =	simm.s32 $0x1A900;
	[dreg:$0x1c] =	wrdreg s19  }
0x26: {  	s21 =	simm.s32 $0x1B100;
	s22 =	simm.s32 $0x1B900;
	[dreg:$0x1d] =	wrdreg s20  }
0x27: {  	s23 =	simm.s32 $0x1C100;
	s24 =	simm.s32 $0x1C900;
	[dreg:$0x1e] =	wrdreg s21  }
0x28: {  	s26 =	simm.s32 $0x1D900;
	s10 =	simm.s32 $0x2;
	[dreg:$0x1f] =	wrdreg s22  }
0x29: {  	s1 =	simm.s32 $0x8;
	s25 =	simm.s32 $0x5100;
	[smem:$0x7FA] =	sst s23  }
0x2a: {  	s11 =	simm.s32 $0x6100;
	s12 =	simm.s32 $0x8100;
	[smem:$0x7FB] =	sst s24  }
0x2b: {  	s3 =	sadd.s32 s5, s3;
	s5 =	simm.s32 $0x13900;
	[smem:$0x7FD] =	sst s26  }
0x2c: {  	s22 =	simm.s32 $0x100;
	s16 =	simm.s32 $0x1100;
	s17 =	simm.s32 $0x1900  }
0x2d: {  	s18 =	simm.s32 $0x2100;
	s19 =	simm.s32 $0x2900;
	s20 =	simm.s32 $0x3100  }
0x2e: {  	v2 =	vlaneseq.u32;
	s21 =	simm.s32 $0x3900;
	s23 =	simm.s32 $0x4100;
	[dreg:$0x4] =	wrdreg s3  }
0x2f: {  	vm0 =	vmmov $0xffff;
	v1 =	vshrl.u32 v2, $0x3;
	s24 =	simm.s32 $0x4900;
	s3 =	simm.s32 $0x13100;
	[dreg:$0x10] =	wrdreg s5  }
0x30: {  	v0 =	vand.u32 $0x7, v2;
	v2 =	vor.u32 $0x8, v2;
	v1 =	vmul.u32 $0x8, v1;
	s26 =	simm.s32 $0xC100;
	s5 =	simm.s32 $0x18100;
	[dreg:$0xf] =	wrdreg s3  }
.LBB2_1:
0x31: {  	s13 =	rddreg [dreg:$0x4]  }
0x32: {  	s14 =	rddreg [dreg:$0xc]  }
0x33: {  	s15 =	rddreg [dreg:$0xd];
	s9 =	simm.s32 $0xB  }
0x34: {  	[tilespmem:s2], [sflag:$0xB] =	stream.strided.gather [hbm4b:s13+s14], $0x100, s15, s14, $0x38;
	[tilespmem:$0x1E100] =	vst v63  }
0x35: {  	_ =	swait.ge [sflag:s9], $0x100  }
0x36: {  	[sflag:s9] =	ssyncset.done $0x0  }
0x37: {  	[sflag:s9] =	ssyncadd.s32 $0xFFFFFF00  }
0x38: {  	v3 =	vld [tilespmem:$0x0];
	_ =	sdelay $0x4  }
0x39: {  	v4 =	vshrl.u32 v3, $0x3  }
0x3a: {  	v4 =	vmul.u32 $0x30, v4  }
0x3b: {  	v3 =	vand.u32 $0x7, v3  }
0x3c: {  	v3 =	vor.u32 v3, v4  }
0x3d: {  	v4 =	vperm.xlane v3, v0;
	_ =	sdelay $0x1  }
0x3e: {  	v4 =	vadd.s32 v1, v4;
	_ =	sdelay $0x3  }
0x3f: {  	v3 =	vperm.xlane v3, v2  }
0x40: {  	[tilespmem:s22], [sflag:$0x1] =	stream.indirect_vreg.gather [hbm4b:s4+s2], $0x80, v4, vm0, $0xb8;
	[tilespmem:$0x1E100] =	vst v63  }
0x41: {  	s15 =	simm.s32 $0x900;
	v3 =	vadd.s32 v1, v3  }
0x42: {  	[tilespmem:s15], [sflag:$0x1] =	stream.indirect_vreg.gather [hbm4b:s6+s2], $0x80, v4, vm0, $0xb8;
	[tilespmem:$0x1E100] =	vst v63  }
0x43: {  	_ = 	snop  }
0x44: {  	[tilespmem:s16], [sflag:$0x1] =	stream.indirect_vreg.gather [hbm4b:s7+s2], $0x80, v4, vm0, $0xb8;
	[tilespmem:$0x1E100] =	vst v63  }
0x45: {  	_ = 	snop  }
0x46: {  	[tilespmem:s17], [sflag:$0x1] =	stream.indirect_vreg.gather [hbm4b:s4+s2], $0x80, v3, vm0, $0xb8;
	[tilespmem:$0x1E100] =	vst v63  }
0x47: {  	_ = 	snop  }
0x48: {  	[tilespmem:s18], [sflag:$0x1] =	stream.indirect_vreg.gather [hbm4b:s6+s2], $0x80, v3, vm0, $0xb8;
	[tilespmem:$0x1E100] =	vst v63  }
0x49: {  	_ = 	snop  }
0x4a: {  	[tilespmem:s19], [sflag:$0x1] =	stream.indirect_vreg.gather [hbm4b:s7+s2], $0x80, v3, vm0, $0xb8;
	[tilespmem:$0x1E100] =	vst v63  }
0x4b: {  	v3 =	vld [tilespmem:$0x10];
	_ =	sdelay $0x4  }
0x4c: {  	v49 =	vshrl.u32 v3, $0x3  }
0x4d: {  	v4 =	vmul.u32 $0x30, v49  }
0x4e: {  	v3 =	vand.u32 $0x7, v3  }
0x4f: {  	v3 =	vor.u32 v3, v4  }
0x50: {  	v4 =	vperm.xlane v3, v0;
	_ =	sdelay $0x1  }
0x51: {  	v4 =	vadd.s32 v1, v4;
	_ =	sdelay $0x3  }
0x52: {  	v3 =	vperm.xlane v3, v2  }
0x53: {  	[tilespmem:s20], [sflag:$0x1] =	stream.indirect_vreg.gather [hbm4b:s4+s2], $0x80, v4, vm0, $0xb8;
	[tilespmem:$0x1E100] =	vst v63  }
0x54: {  	v3 =	vadd.s32 v1, v3  }
0x55: {  	[tilespmem:s21], [sflag:$0x1] =	stream.indirect_vreg.gather [hbm4b:s6+s2], $0x80, v4, vm0, $0xb8;
	[tilespmem:$0x1E100] =	vst v63  }
0x56: {  	_ = 	snop  }
0x57: {  	[tilespmem:s23], [sflag:$0x1] =	stream.indirect_vreg.gather [hbm4b:s7+s2], $0x80, v4, vm0, $0xb8;
	[tilespmem:$0x1E100] =	vst v63  }
0x58: {  	_ = 	snop  }
0x59: {  	[tilespmem:s24], [sflag:$0x1] =	stream.indirect_vreg.gather [hbm4b:s4+s2], $0x80, v3, vm0, $0xb8;
	[tilespmem:$0x1E100] =	vst v63  }
0x5a: {  	_ = 	snop  }
0x5b: {  	[tilespmem:s25], [sflag:$0x1] =	stream.indirect_vreg.gather [hbm4b:s6+s2], $0x80, v3, vm0, $0xb8;
	[tilespmem:$0x1E100] =	vst v63  }
0x5c: {  	s9 =	simm.s32 $0x5900  }
0x5d: {  	[tilespmem:s9], [sflag:$0x1] =	stream.indirect_vreg.gather [hbm4b:s7+s2], $0x80, v3, vm0, $0xb8;
	[tilespmem:$0x1E100] =	vst v63  }
0x5e: {  	v3 =	vld [tilespmem:$0x20];
	_ =	sdelay $0x4  }
0x5f: {  	v50 =	vshrl.u32 v3, $0x3  }
0x60: {  	v4 =	vmul.u32 $0x30, v50  }
0x61: {  	v3 =	vand.u32 $0x7, v3  }
0x62: {  	v3 =	vor.u32 v3, v4  }
0x63: {  	v4 =	vperm.xlane v3, v0;
	_ =	sdelay $0x1  }
0x64: {  	v4 =	vadd.s32 v1, v4;
	_ =	sdelay $0x3  }
0x65: {  	v3 =	vperm.xlane v3, v2  }
0x66: {  	[tilespmem:s11], [sflag:$0x2] =	stream.indirect_vreg.gather [hbm4b:s4+s2], $0x80, v4, vm0, $0xb8;
	[tilespmem:$0x1E100] =	vst v63  }
0x67: {  	v3 =	vadd.s32 v1, v3  }
0x68: {  	[tilespmem:s31], [sflag:$0x2] =	stream.indirect_vreg.gather [hbm4b:s6+s2], $0x80, v4, vm0, $0xb8;
	[tilespmem:$0x1E100] =	vst v63  }
0x69: {  	s0 =	simm.s32 $0x7100  }
0x6a: {  	[tilespmem:s0], [sflag:$0x2] =	stream.indirect_vreg.gather [hbm4b:s7+s2], $0x80, v4, vm0, $0xb8;
	[tilespmem:$0x1E100] =	vst v63  }
0x6b: {  	s14 =	simm.s32 $0x7900  }
0x6c: {  	[tilespmem:s14], [sflag:$0x2] =	stream.indirect_vreg.gather [hbm4b:s4+s2], $0x80, v3, vm0, $0xb8;
	[tilespmem:$0x1E100] =	vst v63  }
0x6d: {  	_ = 	snop  }
0x6e: {  	[tilespmem:s12], [sflag:$0x2] =	stream.indirect_vreg.gather [hbm4b:s6+s2], $0x80, v3, vm0, $0xb8;
	[tilespmem:$0x1E100] =	vst v63  }
0x6f: {  	s3 =	simm.s32 $0x8900  }
0x70: {  	[tilespmem:s3], [sflag:$0x2] =	stream.indirect_vreg.gather [hbm4b:s7+s2], $0x80, v3, vm0, $0xb8;
	[tilespmem:$0x1E100] =	vst v63  }
0x71: {  	v3 =	vld [tilespmem:$0x30];
	_ =	sdelay $0x4  }
0x72: {  	v51 =	vshrl.u32 v3, $0x3  }
0x73: {  	v4 =	vmul.u32 $0x30, v51  }
0x74: {  	v3 =	vand.u32 $0x7, v3  }
0x75: {  	v3 =	vor.u32 v3, v4  }
0x76: {  	v4 =	vperm.xlane v3, v0;
	_ =	sdelay $0x1  }
0x77: {  	v4 =	vadd.s32 v1, v4;
	_ =	sdelay $0x3  }
0x78: {  	s13 =	simm.s32 $0x9100;
	v3 =	vperm.xlane v3, v2  }
0x79: {  	[tilespmem:s13], [sflag:$0x2] =	stream.indirect_vreg.gather [hbm4b:s4+s2], $0x80, v4, vm0, $0xb8;
	[tilespmem:$0x1E100] =	vst v63  }
0x7a: {  	s14 =	simm.s32 $0x9900;
	v3 =	vadd.s32 v1, v3  }
0x7b: {  	[tilespmem:s14], [sflag:$0x2] =	stream.indirect_vreg.gather [hbm4b:s6+s2], $0x80, v4, vm0, $0xb8;
	[tilespmem:$0x1E100] =	vst v63  }
0x7c: {  	s3 =	simm.s32 $0xA100  }
0x7d: {  	[tilespmem:s3], [sflag:$0x2] =	stream.indirect_vreg.gather [hbm4b:s7+s2], $0x80, v4, vm0, $0xb8;
	[tilespmem:$0x1E100] =	vst v63  }
0x7e: {  	s13 =	simm.s32 $0xA900  }
0x7f: {  	[tilespmem:s13], [sflag:$0x2] =	stream.indirect_vreg.gather [hbm4b:s4+s2], $0x80, v3, vm0, $0xb8;
	[tilespmem:$0x1E100] =	vst v63  }
0x80: {  	s14 =	simm.s32 $0xB100  }
0x81: {  	[tilespmem:s14], [sflag:$0x2] =	stream.indirect_vreg.gather [hbm4b:s6+s2], $0x80, v3, vm0, $0xb8;
	[tilespmem:$0x1E100] =	vst v63  }
0x82: {  	s3 =	simm.s32 $0xB900  }
0x83: {  	[tilespmem:s3], [sflag:$0x2] =	stream.indirect_vreg.gather [hbm4b:s7+s2], $0x80, v3, vm0, $0xb8;
	[tilespmem:$0x1E100] =	vst v63  }
0x84: {  	v3 =	vld [tilespmem:$0x40];
	_ =	sdelay $0x4  }
0x85: {  	v52 =	vshrl.u32 v3, $0x3  }
0x86: {  	v4 =	vmul.u32 $0x30, v52  }
0x87: {  	v3 =	vand.u32 $0x7, v3  }
0x88: {  	v3 =	vor.u32 v3, v4  }
0x89: {  	v4 =	vperm.xlane v3, v0;
	_ =	sdelay $0x1  }
0x8a: {  	v4 =	vadd.s32 v1, v4;
	_ =	sdelay $0x3  }
0x8b: {  	v3 =	vperm.xlane v3, v2  }
0x8c: {  	[tilespmem:s26], [sflag:$0x3] =	stream.indirect_vreg.gather [hbm4b:s4+s2], $0x80, v4, vm0, $0xb8;
	[tilespmem:$0x1E100] =	vst v63  }
0x8d: {  	s13 =	simm.s32 $0xC900;
	v3 =	vadd.s32 v1, v3  }
0x8e: {  	[tilespmem:s13], [sflag:$0x3] =	stream.indirect_vreg.gather [hbm4b:s6+s2], $0x80, v4, vm0, $0xb8;
	[tilespmem:$0x1E100] =	vst v63  }
0x8f: {  	s14 =	simm.s32 $0xD100  }
0x90: {  	[tilespmem:s14], [sflag:$0x3] =	stream.indirect_vreg.gather [hbm4b:s7+s2], $0x80, v4, vm0, $0xb8;
	[tilespmem:$0x1E100] =	vst v63  }
0x91: {  	s3 =	simm.s32 $0xD900  }
0x92: {  	[tilespmem:s3], [sflag:$0x3] =	stream.indirect_vreg.gather [hbm4b:s4+s2], $0x80, v3, vm0, $0xb8;
	[tilespmem:$0x1E100] =	vst v63  }
0x93: {  	s13 =	simm.s32 $0xE100  }
0x94: {  	[tilespmem:s13], [sflag:$0x3] =	stream.indirect_vreg.gather [hbm4b:s6+s2], $0x80, v3, vm0, $0xb8;
	[tilespmem:$0x1E100] =	vst v63  }
0x95: {  	s14 =	simm.s32 $0xE900  }
0x96: {  	[tilespmem:s14], [sflag:$0x3] =	stream.indirect_vreg.gather [hbm4b:s7+s2], $0x80, v3, vm0, $0xb8;
	[tilespmem:$0x1E100] =	vst v63  }
0x97: {  	v3 =	vld [tilespmem:$0x50];
	_ =	sdelay $0x4  }
0x98: {  	v53 =	vshrl.u32 v3, $0x3  }
0x99: {  	v4 =	vmul.u32 $0x30, v53  }
0x9a: {  	v3 =	vand.u32 $0x7, v3  }
0x9b: {  	v3 =	vor.u32 v3, v4  }
0x9c: {  	v4 =	vperm.xlane v3, v0;
	_ =	sdelay $0x1  }
0x9d: {  	v4 =	vadd.s32 v1, v4;
	_ =	sdelay $0x3  }
0x9e: {  	s3 =	simm.s32 $0xF100;
	v3 =	vperm.xlane v3, v2  }
0x9f: {  	[tilespmem:s3], [sflag:$0x3] =	stream.indirect_vreg.gather [hbm4b:s4+s2], $0x80, v4, vm0, $0xb8;
	[tilespmem:$0x1E100] =	vst v63  }
0xa0: {  	s13 =	simm.s32 $0xF900;
	v3 =	vadd.s32 v1, v3  }
0xa1: {  	[tilespmem:s13], [sflag:$0x3] =	stream.indirect_vreg.gather [hbm4b:s6+s2], $0x80, v4, vm0, $0xb8;
	[tilespmem:$0x1E100] =	vst v63  }
0xa2: {  	s14 =	simm.s32 $0x10100  }
0xa3: {  	[tilespmem:s14], [sflag:$0x3] =	stream.indirect_vreg.gather [hbm4b:s7+s2], $0x80, v4, vm0, $0xb8;
	[tilespmem:$0x1E100] =	vst v63  }
0xa4: {  	s3 =	simm.s32 $0x10900  }
0xa5: {  	[tilespmem:s3], [sflag:$0x3] =	stream.indirect_vreg.gather [hbm4b:s4+s2], $0x80, v3, vm0, $0xb8;
	[tilespmem:$0x1E100] =	vst v63  }
0xa6: {  	s13 =	simm.s32 $0x11100  }
0xa7: {  	[tilespmem:s13], [sflag:$0x3] =	stream.indirect_vreg.gather [hbm4b:s6+s2], $0x80, v3, vm0, $0xb8;
	[tilespmem:$0x1E100] =	vst v63  }
0xa8: {  	s14 =	simm.s32 $0x11900  }
0xa9: {  	[tilespmem:s14], [sflag:$0x3] =	stream.indirect_vreg.gather [hbm4b:s7+s2], $0x80, v3, vm0, $0xb8;
	[tilespmem:$0x1E100] =	vst v63  }
0xaa: {  	v3 =	vld [tilespmem:$0x60];
	_ =	sdelay $0x4  }
0xab: {  	v54 =	vshrl.u32 v3, $0x3  }
0xac: {  	v4 =	vmul.u32 $0x30, v54  }
0xad: {  	v3 =	vand.u32 $0x7, v3  }
0xae: {  	v3 =	vor.u32 v3, v4  }
0xaf: {  	v4 =	vperm.xlane v3, v0;
	_ =	sdelay $0x1  }
0xb0: {  	v4 =	vadd.s32 v1, v4;
	_ =	sdelay $0x3  }
0xb1: {  	s3 =	simm.s32 $0x12100;
	v3 =	vperm.xlane v3, v2  }
0xb2: {  	[tilespmem:s3], [sflag:$0x4] =	stream.indirect_vreg.gather [hbm4b:s4+s2], $0x80, v4, vm0, $0xb8;
	[tilespmem:$0x1E100] =	vst v63  }
0xb3: {  	s0 =	rddreg [dreg:$0xe];
	v3 =	vadd.s32 v1, v3  }
0xb4: {  	[tilespmem:s0], [sflag:$0x4] =	stream.indirect_vreg.gather [hbm4b:s6+s2], $0x80, v4, vm0, $0xb8;
	[tilespmem:$0x1E100] =	vst v63  }
0xb5: {  	s14 =	rddreg [dreg:$0xf]  }
0xb6: {  	[tilespmem:s14], [sflag:$0x4] =	stream.indirect_vreg.gather [hbm4b:s7+s2], $0x80, v4, vm0, $0xb8;
	[tilespmem:$0x1E100] =	vst v63  }
0xb7: {  	s0 =	rddreg [dreg:$0x10]  }
0xb8: {  	[tilespmem:s0], [sflag:$0x4] =	stream.indirect_vreg.gather [hbm4b:s4+s2], $0x80, v3, vm0, $0xb8;
	[tilespmem:$0x1E100] =	vst v63  }
0xb9: {  	s14 =	rddreg [dreg:$0x11]  }
0xba: {  	[tilespmem:s14], [sflag:$0x4] =	stream.indirect_vreg.gather [hbm4b:s6+s2], $0x80, v3, vm0, $0xb8;
	[tilespmem:$0x1E100] =	vst v63  }
0xbb: {  	s0 =	rddreg [dreg:$0x12]  }
0xbc: {  	[tilespmem:s0], [sflag:$0x4] =	stream.indirect_vreg.gather [hbm4b:s7+s2], $0x80, v3, vm0, $0xb8;
	[tilespmem:$0x1E100] =	vst v63  }
0xbd: {  	v3 =	vld [tilespmem:$0x70];
	_ =	sdelay $0x4  }
0xbe: {  	v55 =	vshrl.u32 v3, $0x3  }
0xbf: {  	v4 =	vmul.u32 $0x30, v55  }
0xc0: {  	v3 =	vand.u32 $0x7, v3  }
0xc1: {  	v3 =	vor.u32 v3, v4  }
0xc2: {  	v4 =	vperm.xlane v3, v0;
	_ =	sdelay $0x1  }
0xc3: {  	v4 =	vadd.s32 v1, v4;
	_ =	sdelay $0x3  }
0xc4: {  	s14 =	rddreg [dreg:$0x13];
	v3 =	vperm.xlane v3, v2  }
0xc5: {  	[tilespmem:s14], [sflag:$0x4] =	stream.indirect_vreg.gather [hbm4b:s4+s2], $0x80, v4, vm0, $0xb8;
	[tilespmem:$0x1E100] =	vst v63  }
0xc6: {  	s0 =	rddreg [dreg:$0x14];
	v3 =	vadd.s32 v1, v3  }
0xc7: {  	[tilespmem:s0], [sflag:$0x4] =	stream.indirect_vreg.gather [hbm4b:s6+s2], $0x80, v4, vm0, $0xb8;
	[tilespmem:$0x1E100] =	vst v63  }
0xc8: {  	s13 =	rddreg [dreg:$0x15]  }
0xc9: {  	[tilespmem:s13], [sflag:$0x4] =	stream.indirect_vreg.gather [hbm4b:s7+s2], $0x80, v4, vm0, $0xb8;
	[tilespmem:$0x1E100] =	vst v63  }
0xca: {  	s0 =	rddreg [dreg:$0x16]  }
0xcb: {  	[tilespmem:s0], [sflag:$0x4] =	stream.indirect_vreg.gather [hbm4b:s4+s2], $0x80, v3, vm0, $0xb8;
	[tilespmem:$0x1E100] =	vst v63  }
0xcc: {  	s13 =	rddreg [dreg:$0x17]  }
0xcd: {  	[tilespmem:s13], [sflag:$0x4] =	stream.indirect_vreg.gather [hbm4b:s6+s2], $0x80, v3, vm0, $0xb8;
	[tilespmem:$0x1E100] =	vst v63  }
0xce: {  	s0 =	rddreg [dreg:$0x18]  }
0xcf: {  	[tilespmem:s0], [sflag:$0x4] =	stream.indirect_vreg.gather [hbm4b:s7+s2], $0x80, v3, vm0, $0xb8;
	[tilespmem:$0x1E100] =	vst v63  }
0xd0: {  	s0 =	simm.s32 $0x1  }
0xd1: {  	_ =	swait.ge [sflag:s0], $0x6000  }
0xd2: {  	s14 =	sld [smem:$0x7F9]  }
0xd3: {  	[sflag:s0] =	ssyncset.done $0x0  }
0xd4: {  	[sflag:s0] =	ssyncadd.s32 $0xFFFFA000  }
0xd5: {  	[hbm4b:s14+s2] =	stream.linear.scatter [tilespmem:s22], [sflag:$0x6], $0x6000, $0x38;
	[tilespmem:$0x1E100] =	vst v63  }
0xd6: {  	v3 =	vld [tilespmem:$0x80];
	_ =	sdelay $0x4  }
0xd7: {  	v56 =	vshrl.u32 v3, $0x3  }
0xd8: {  	v4 =	vmul.u32 $0x30, v56  }
0xd9: {  	v3 =	vand.u32 $0x7, v3  }
0xda: {  	v3 =	vor.u32 v3, v4  }
0xdb: {  	v4 =	vperm.xlane v3, v0;
	_ =	sdelay $0x1  }
0xdc: {  	v4 =	vadd.s32 v1, v4;
	_ =	sdelay $0x3  }
0xdd: {  	v3 =	vperm.xlane v3, v2  }
0xde: {  	[tilespmem:s5], [sflag:$0x5] =	stream.indirect_vreg.gather [hbm4b:s4+s2], $0x80, v4, vm0, $0xb8;
	[tilespmem:$0x1E100] =	vst v63  }
0xdf: {  	s13 =	rddreg [dreg:$0x19];
	v3 =	vadd.s32 v1, v3  }
0xe0: {  	[tilespmem:s13], [sflag:$0x5] =	stream.indirect_vreg.gather [hbm4b:s6+s2], $0x80, v4, vm0, $0xb8;
	[tilespmem:$0x1E100] =	vst v63  }
0xe1: {  	s14 =	rddreg [dreg:$0x1a]  }
0xe2: {  	[tilespmem:s14], [sflag:$0x5] =	stream.indirect_vreg.gather [hbm4b:s7+s2], $0x80, v4, vm0, $0xb8;
	[tilespmem:$0x1E100] =	vst v63  }
0xe3: {  	s13 =	rddreg [dreg:$0x1b]  }
0xe4: {  	[tilespmem:s13], [sflag:$0x5] =	stream.indirect_vreg.gather [hbm4b:s4+s2], $0x80, v3, vm0, $0xb8;
	[tilespmem:$0x1E100] =	vst v63  }
0xe5: {  	s14 =	rddreg [dreg:$0x1c]  }
0xe6: {  	[tilespmem:s14], [sflag:$0x5] =	stream.indirect_vreg.gather [hbm4b:s6+s2], $0x80, v3, vm0, $0xb8;
	[tilespmem:$0x1E100] =	vst v63  }
0xe7: {  	s13 =	rddreg [dreg:$0x1d]  }
0xe8: {  	[tilespmem:s13], [sflag:$0x5] =	stream.indirect_vreg.gather [hbm4b:s7+s2], $0x80, v3, vm0, $0xb8;
	[tilespmem:$0x1E100] =	vst v63  }
0xe9: {  	v3 =	vld [tilespmem:$0x90];
	_ =	sdelay $0x4  }
0xea: {  	v57 =	vshrl.u32 v3, $0x3  }
0xeb: {  	v4 =	vmul.u32 $0x30, v57  }
0xec: {  	v3 =	vand.u32 $0x7, v3  }
0xed: {  	v3 =	vor.u32 v3, v4  }
0xee: {  	v4 =	vperm.xlane v3, v0;
	_ =	sdelay $0x1  }
0xef: {  	v4 =	vadd.s32 v1, v4;
	_ =	sdelay $0x2  }
0xf0: {  	s14 =	rddreg [dreg:$0x1f]  }
0xf1: {  	s13 =	rddreg [dreg:$0x1e];
	v3 =	vperm.xlane v3, v2  }
0xf2: {  	[tilespmem:s13], [sflag:$0x5] =	stream.indirect_vreg.gather [hbm4b:s4+s2], $0x80, v4, vm0, $0xb8;
	[tilespmem:$0x1E100] =	vst v63  }
0xf3: {  	v3 =	vadd.s32 v1, v3;
	s13 =	sld [smem:$0x7FA]  }
0xf4: {  	[tilespmem:s14], [sflag:$0x5] =	stream.indirect_vreg.gather [hbm4b:s6+s2], $0x80, v4, vm0, $0xb8;
	[tilespmem:$0x1E100] =	vst v63  }
0xf5: {  	s14 =	sld [smem:$0x7FB]  }
0xf6: {  	[tilespmem:s13], [sflag:$0x5] =	stream.indirect_vreg.gather [hbm4b:s7+s2], $0x80, v4, vm0, $0xb8;
	[tilespmem:$0x1E100] =	vst v63  }
0xf7: {  	s13 =	sld [smem:$0x7FC]  }
0xf8: {  	[tilespmem:s14], [sflag:$0x5] =	stream.indirect_vreg.gather [hbm4b:s4+s2], $0x80, v3, vm0, $0xb8;
	[tilespmem:$0x1E100] =	vst v63  }
0xf9: {  	s14 =	sld [smem:$0x7FD]  }
0xfa: {  	[tilespmem:s13], [sflag:$0x5] =	stream.indirect_vreg.gather [hbm4b:s6+s2], $0x80, v3, vm0, $0xb8;
	[tilespmem:$0x1E100] =	vst v63  }
0xfb: {  	_ = 	snop  }
0xfc: {  	[tilespmem:s14], [sflag:$0x5] =	stream.indirect_vreg.gather [hbm4b:s7+s2], $0x80, v3, vm0, $0xb8;
	[tilespmem:$0x1E100] =	vst v63  }
0xfd: {  	_ =	swait.ge [sflag:s10], $0x6000  }
0xfe: {  	[sflag:s10] =	ssyncset.done $0x0  }
0xff: {  	s14 =	rddreg [dreg:$0x5];
	[sflag:s10] =	ssyncadd.s32 $0xFFFFA000  }
0x100: {  	[hbm4b:s14+s2] =	stream.linear.scatter [tilespmem:s11], [sflag:$0x7], $0x6000, $0x38;
	[tilespmem:$0x1E100] =	vst v63  }
0x101: {  	_ =	swait.ge [sflag:s28], $0x6000  }
0x102: {  	[sflag:s28] =	ssyncset.done $0x0  }
0x103: {  	[sflag:s28] =	ssyncadd.s32 $0xFFFFA000  }
0x104: {  	v3 =	vld [tilespmem:$0xA0];
	_ =	sdelay $0x4  }
0x105: {  	v58 =	vshrl.u32 v3, $0x3  }
0x106: {  	v4 =	vmul.u32 $0x30, v58  }
0x107: {  	v3 =	vand.u32 $0x7, v3  }
0x108: {  	v3 =	vor.u32 v3, v4  }
0x109: {  	v4 =	vperm.xlane v3, v0;
	_ =	sdelay $0x1  }
0x10a: {  	v4 =	vadd.s32 v1, v4;
	_ =	sdelay $0x3  }
0x10b: {  	v3 =	vperm.xlane v3, v2  }
0x10c: {  	[tilespmem:s22], [sflag:$0x1] =	stream.indirect_vreg.gather [hbm4b:s4+s2], $0x80, v4, vm0, $0xb8;
	[tilespmem:$0x1E100] =	vst v63  }
0x10d: {  	v3 =	vadd.s32 v1, v3  }
0x10e: {  	[tilespmem:s15], [sflag:$0x1] =	stream.indirect_vreg.gather [hbm4b:s6+s2], $0x80, v4, vm0, $0xb8;
	[tilespmem:$0x1E100] =	vst v63  }
0x10f: {  	_ = 	snop  }
0x110: {  	[tilespmem:s16], [sflag:$0x1] =	stream.indirect_vreg.gather [hbm4b:s7+s2], $0x80, v4, vm0, $0xb8;
	[tilespmem:$0x1E100] =	vst v63  }
0x111: {  	_ = 	snop  }
0x112: {  	[tilespmem:s17], [sflag:$0x1] =	stream.indirect_vreg.gather [hbm4b:s4+s2], $0x80, v3, vm0, $0xb8;
	[tilespmem:$0x1E100] =	vst v63  }
0x113: {  	_ = 	snop  }
0x114: {  	[tilespmem:s18], [sflag:$0x1] =	stream.indirect_vreg.gather [hbm4b:s6+s2], $0x80, v3, vm0, $0xb8;
	[tilespmem:$0x1E100] =	vst v63  }
0x115: {  	_ = 	snop  }
0x116: {  	[tilespmem:s19], [sflag:$0x1] =	stream.indirect_vreg.gather [hbm4b:s7+s2], $0x80, v3, vm0, $0xb8;
	[tilespmem:$0x1E100] =	vst v63  }
0x117: {  	v3 =	vld [tilespmem:$0xB0];
	_ =	sdelay $0x4  }
0x118: {  	v59 =	vshrl.u32 v3, $0x3  }
0x119: {  	v4 =	vmul.u32 $0x30, v59  }
0x11a: {  	v3 =	vand.u32 $0x7, v3  }
0x11b: {  	v3 =	vor.u32 v3, v4  }
0x11c: {  	v4 =	vperm.xlane v3, v0;
	_ =	sdelay $0x1  }
0x11d: {  	v4 =	vadd.s32 v1, v4;
	_ =	sdelay $0x3  }
0x11e: {  	v3 =	vperm.xlane v3, v2  }
0x11f: {  	[tilespmem:s20], [sflag:$0x1] =	stream.indirect_vreg.gather [hbm4b:s4+s2], $0x80, v4, vm0, $0xb8;
	[tilespmem:$0x1E100] =	vst v63  }
0x120: {  	v3 =	vadd.s32 v1, v3  }
0x121: {  	[tilespmem:s21], [sflag:$0x1] =	stream.indirect_vreg.gather [hbm4b:s6+s2], $0x80, v4, vm0, $0xb8;
	[tilespmem:$0x1E100] =	vst v63  }
0x122: {  	_ = 	snop  }
0x123: {  	[tilespmem:s23], [sflag:$0x1] =	stream.indirect_vreg.gather [hbm4b:s7+s2], $0x80, v4, vm0, $0xb8;
	[tilespmem:$0x1E100] =	vst v63  }
0x124: {  	_ = 	snop  }
0x125: {  	[tilespmem:s24], [sflag:$0x1] =	stream.indirect_vreg.gather [hbm4b:s4+s2], $0x80, v3, vm0, $0xb8;
	[tilespmem:$0x1E100] =	vst v63  }
0x126: {  	_ = 	snop  }
0x127: {  	[tilespmem:s25], [sflag:$0x1] =	stream.indirect_vreg.gather [hbm4b:s6+s2], $0x80, v3, vm0, $0xb8;
	[tilespmem:$0x1E100] =	vst v63  }
0x128: {  	_ = 	snop  }
0x129: {  	[tilespmem:s9], [sflag:$0x1] =	stream.indirect_vreg.gather [hbm4b:s7+s2], $0x80, v3, vm0, $0xb8;
	[tilespmem:$0x1E100] =	vst v63  }
0x12a: {  	_ =	swait.ge [sflag:s29], $0x6000  }
0x12b: {  	[sflag:s29] =	ssyncset.done $0x0  }
0x12c: {  	s9 =	rddreg [dreg:$0x6];
	[sflag:s29] =	ssyncadd.s32 $0xFFFFA000  }
0x12d: {  	[hbm4b:s9+s2] =	stream.linear.scatter [tilespmem:s26], [sflag:$0x8], $0x6000, $0x38;
	[tilespmem:$0x1E100] =	vst v63  }
0x12e: {  	_ =	swait.ge [sflag:s30], $0x6000  }
0x12f: {  	[sflag:s30] =	ssyncset.done $0x0  }
0x130: {  	[sflag:s30] =	ssyncadd.s32 $0xFFFFA000  }
0x131: {  	v3 =	vld [tilespmem:$0xC0];
	_ =	sdelay $0x4  }
0x132: {  	v60 =	vshrl.u32 v3, $0x3  }
0x133: {  	v4 =	vmul.u32 $0x30, v60  }
0x134: {  	v3 =	vand.u32 $0x7, v3  }
0x135: {  	v3 =	vor.u32 v3, v4  }
0x136: {  	v4 =	vperm.xlane v3, v0;
	_ =	sdelay $0x1  }
0x137: {  	v4 =	vadd.s32 v1, v4;
	_ =	sdelay $0x3  }
0x138: {  	v3 =	vperm.xlane v3, v2  }
0x139: {  	[tilespmem:s11], [sflag:$0x2] =	stream.indirect_vreg.gather [hbm4b:s4+s2], $0x80, v4, vm0, $0xb8;
	[tilespmem:$0x1E100] =	vst v63  }
0x13a: {  	v3 =	vadd.s32 v1, v3  }
0x13b: {  	[tilespmem:s31], [sflag:$0x2] =	stream.indirect_vreg.gather [hbm4b:s6+s2], $0x80, v4, vm0, $0xb8;
	[tilespmem:$0x1E100] =	vst v63  }
0x13c: {  	s14 =	simm.s32 $0x7100  }
0x13d: {  	[tilespmem:s14], [sflag:$0x2] =	stream.indirect_vreg.gather [hbm4b:s7+s2], $0x80, v4, vm0, $0xb8;
	[tilespmem:$0x1E100] =	vst v63  }
0x13e: {  	s15 =	simm.s32 $0x7900  }
0x13f: {  	[tilespmem:s15], [sflag:$0x2] =	stream.indirect_vreg.gather [hbm4b:s4+s2], $0x80, v3, vm0, $0xb8;
	[tilespmem:$0x1E100] =	vst v63  }
0x140: {  	_ = 	snop  }
0x141: {  	[tilespmem:s12], [sflag:$0x2] =	stream.indirect_vreg.gather [hbm4b:s6+s2], $0x80, v3, vm0, $0xb8;
	[tilespmem:$0x1E100] =	vst v63  }
0x142: {  	s13 =	simm.s32 $0x8900  }
0x143: {  	[tilespmem:s13], [sflag:$0x2] =	stream.indirect_vreg.gather [hbm4b:s7+s2], $0x80, v3, vm0, $0xb8;
	[tilespmem:$0x1E100] =	vst v63  }
0x144: {  	v3 =	vld [tilespmem:$0xD0];
	_ =	sdelay $0x4  }
0x145: {  	v61 =	vshrl.u32 v3, $0x3  }
0x146: {  	v4 =	vmul.u32 $0x30, v61  }
0x147: {  	v3 =	vand.u32 $0x7, v3  }
0x148: {  	v3 =	vor.u32 v3, v4  }
0x149: {  	v4 =	vperm.xlane v3, v0;
	_ =	sdelay $0x1  }
0x14a: {  	v4 =	vadd.s32 v1, v4;
	_ =	sdelay $0x3  }
0x14b: {  	s14 =	simm.s32 $0x9100;
	v3 =	vperm.xlane v3, v2  }
0x14c: {  	[tilespmem:s14], [sflag:$0x2] =	stream.indirect_vreg.gather [hbm4b:s4+s2], $0x80, v4, vm0, $0xb8;
	[tilespmem:$0x1E100] =	vst v63  }
0x14d: {  	s15 =	simm.s32 $0x9900;
	v3 =	vadd.s32 v1, v3  }
0x14e: {  	[tilespmem:s15], [sflag:$0x2] =	stream.indirect_vreg.gather [hbm4b:s6+s2], $0x80, v4, vm0, $0xb8;
	[tilespmem:$0x1E100] =	vst v63  }
0x14f: {  	s13 =	simm.s32 $0xA100  }
0x150: {  	[tilespmem:s13], [sflag:$0x2] =	stream.indirect_vreg.gather [hbm4b:s7+s2], $0x80, v4, vm0, $0xb8;
	[tilespmem:$0x1E100] =	vst v63  }
0x151: {  	s14 =	simm.s32 $0xA900  }
0x152: {  	[tilespmem:s14], [sflag:$0x2] =	stream.indirect_vreg.gather [hbm4b:s4+s2], $0x80, v3, vm0, $0xb8;
	[tilespmem:$0x1E100] =	vst v63  }
0x153: {  	s15 =	simm.s32 $0xB100  }
0x154: {  	[tilespmem:s15], [sflag:$0x2] =	stream.indirect_vreg.gather [hbm4b:s6+s2], $0x80, v3, vm0, $0xb8;
	[tilespmem:$0x1E100] =	vst v63  }
0x155: {  	s13 =	simm.s32 $0xB900;
	s14 =	simm.s32 $0x4  }
0x156: {  	[tilespmem:s13], [sflag:$0x2] =	stream.indirect_vreg.gather [hbm4b:s7+s2], $0x80, v3, vm0, $0xb8;
	[tilespmem:$0x1E100] =	vst v63  }
0x157: {  	_ =	swait.ge [sflag:s14], $0x6000  }
0x158: {  	[sflag:s14] =	ssyncset.done $0x0  }
0x159: {  	s15 =	rddreg [dreg:$0x7];
	[sflag:s14] =	ssyncadd.s32 $0xFFFFA000  }
0x15a: {  	[hbm4b:s15+s2] =	stream.linear.scatter [tilespmem:s3], [sflag:$0x9], $0x6000, $0x38;
	[tilespmem:$0x1E100] =	vst v63  }
0x15b: {  	_ =	swait.ge [sflag:s1], $0x6000  }
0x15c: {  	[sflag:s1] =	ssyncset.done $0x0  }
0x15d: {  	[sflag:s1] =	ssyncadd.s32 $0xFFFFA000  }
0x15e: {  	v3 =	vld [tilespmem:$0xE0];
	_ =	sdelay $0x4  }
0x15f: {  	v62 =	vshrl.u32 v3, $0x3  }
0x160: {  	v4 =	vmul.u32 $0x30, v62  }
0x161: {  	v3 =	vand.u32 $0x7, v3  }
0x162: {  	v3 =	vor.u32 v3, v4  }
0x163: {  	v4 =	vperm.xlane v3, v0;
	_ =	sdelay $0x1  }
0x164: {  	v4 =	vadd.s32 v1, v4;
	_ =	sdelay $0x3  }
0x165: {  	v3 =	vperm.xlane v3, v2  }
0x166: {  	[tilespmem:s26], [sflag:$0x3] =	stream.indirect_vreg.gather [hbm4b:s4+s2], $0x80, v4, vm0, $0xb8;
	[tilespmem:$0x1E100] =	vst v63  }
0x167: {  	s14 =	simm.s32 $0xC900;
	v3 =	vadd.s32 v1, v3  }
0x168: {  	[tilespmem:s14], [sflag:$0x3] =	stream.indirect_vreg.gather [hbm4b:s6+s2], $0x80, v4, vm0, $0xb8;
	[tilespmem:$0x1E100] =	vst v63  }
0x169: {  	s15 =	simm.s32 $0xD100  }
0x16a: {  	[tilespmem:s15], [sflag:$0x3] =	stream.indirect_vreg.gather [hbm4b:s7+s2], $0x80, v4, vm0, $0xb8;
	[tilespmem:$0x1E100] =	vst v63  }
0x16b: {  	s9 =	simm.s32 $0xD900  }
0x16c: {  	[tilespmem:s9], [sflag:$0x3] =	stream.indirect_vreg.gather [hbm4b:s4+s2], $0x80, v3, vm0, $0xb8;
	[tilespmem:$0x1E100] =	vst v63  }
0x16d: {  	s13 =	simm.s32 $0xE100  }
0x16e: {  	[tilespmem:s13], [sflag:$0x3] =	stream.indirect_vreg.gather [hbm4b:s6+s2], $0x80, v3, vm0, $0xb8;
	[tilespmem:$0x1E100] =	vst v63  }
0x16f: {  	s14 =	simm.s32 $0xE900  }
0x170: {  	[tilespmem:s14], [sflag:$0x3] =	stream.indirect_vreg.gather [hbm4b:s7+s2], $0x80, v3, vm0, $0xb8;
	[tilespmem:$0x1E100] =	vst v63  }
0x171: {  	v3 =	vld [tilespmem:$0xF0];
	_ =	sdelay $0x4  }
0x172: {  	v63 =	vshrl.u32 v3, $0x3  }
0x173: {  	v4 =	vmul.u32 $0x30, v63  }
0x174: {  	v3 =	vand.u32 $0x7, v3  }
0x175: {  	v3 =	vor.u32 v3, v4  }
0x176: {  	v4 =	vperm.xlane v3, v0;
	_ =	sdelay $0x1  }
0x177: {  	v4 =	vadd.s32 v1, v4;
	_ =	sdelay $0x3  }
0x178: {  	s15 =	simm.s32 $0xF100;
	v3 =	vperm.xlane v3, v2  }
0x179: {  	[tilespmem:s15], [sflag:$0x3] =	stream.indirect_vreg.gather [hbm4b:s4+s2], $0x80, v4, vm0, $0xb8;
	[tilespmem:$0x1E100] =	vst v63  }
0x17a: {  	s9 =	simm.s32 $0xF900;
	v3 =	vadd.s32 v1, v3  }
0x17b: {  	[tilespmem:s9], [sflag:$0x3] =	stream.indirect_vreg.gather [hbm4b:s6+s2], $0x80, v4, vm0, $0xb8;
	[tilespmem:$0x1E100] =	vst v63  }
0x17c: {  	s13 =	simm.s32 $0x10100  }
0x17d: {  	[tilespmem:s13], [sflag:$0x3] =	stream.indirect_vreg.gather [hbm4b:s7+s2], $0x80, v4, vm0, $0xb8;
	[tilespmem:$0x1E100] =	vst v63  }
0x17e: {  	s14 =	simm.s32 $0x10900  }
0x17f: {  	[tilespmem:s14], [sflag:$0x3] =	stream.indirect_vreg.gather [hbm4b:s4+s2], $0x80, v3, vm0, $0xb8;
	[tilespmem:$0x1E100] =	vst v63  }
0x180: {  	s15 =	simm.s32 $0x11100  }
0x181: {  	[tilespmem:s15], [sflag:$0x3] =	stream.indirect_vreg.gather [hbm4b:s6+s2], $0x80, v3, vm0, $0xb8;
	[tilespmem:$0x1E100] =	vst v63  }
0x182: {  	s9 =	simm.s32 $0x11900;
	s13 =	simm.s32 $0x5  }
0x183: {  	[tilespmem:s9], [sflag:$0x3] =	stream.indirect_vreg.gather [hbm4b:s7+s2], $0x80, v3, vm0, $0xb8;
	[tilespmem:$0x1E100] =	vst v63  }
0x184: {  	_ =	swait.ge [sflag:s13], $0x6000  }
0x185: {  	[sflag:s13] =	ssyncset.done $0x0  }
0x186: {  	s14 =	rddreg [dreg:$0x8];
	[sflag:s13] =	ssyncadd.s32 $0xFFFFA000  }
0x187: {  	[hbm4b:s14+s2] =	stream.linear.scatter [tilespmem:s5], [sflag:$0xA], $0x6000, $0x38;
	[tilespmem:$0x1E100] =	vst v63  }
0x188: {  	_ =	swait.ge [sflag:s0], $0x6000  }
0x189: {  	[sflag:s0] =	ssyncset.done $0x0  }
0x18a: {  	s15 =	rddreg [dreg:$0x9];
	[sflag:s0] =	ssyncadd.s32 $0xFFFFA000  }
0x18b: {  	[hbm4b:s15+s2] =	stream.linear.scatter [tilespmem:s22], [sflag:$0x6], $0x6000, $0x38;
	[tilespmem:$0x1E100] =	vst v63  }
0x18c: {  	_ =	swait.ge [sflag:s10], $0x6000  }
0x18d: {  	[sflag:s10] =	ssyncset.done $0x0  }
0x18e: {  	s3 =	rddreg [dreg:$0xa];
	[sflag:s10] =	ssyncadd.s32 $0xFFFFA000  }
0x18f: {  	[hbm4b:s3+s2] =	stream.linear.scatter [tilespmem:s11], [sflag:$0x7], $0x6000, $0x38;
	[tilespmem:$0x1E100] =	vst v63  }
0x190: {  	_ =	swait.ge [sflag:s29], $0x6000  }
0x191: {  	[sflag:s29] =	ssyncset.done $0x0  }
0x192: {  	s14 =	simm.s32 $0x9;
	s9 =	rddreg [dreg:$0xb];
	[sflag:s29] =	ssyncadd.s32 $0xFFFFA000  }
0x193: {  	[hbm4b:s9+s2] =	stream.linear.scatter [tilespmem:s26], [sflag:$0x8], $0x6000, $0x38;
	[tilespmem:$0x1E100] =	vst v63  }
0x194: {  	_ =	swait.ge [sflag:s14], $0x6000  }
0x195: {  	[sflag:s14] =	ssyncset.done $0x0  }
0x196: {  	s15 =	simm.s32 $0xA;
	[sflag:s14] =	ssyncadd.s32 $0xFFFFA000  }
0x197: {  	_ =	swait.ge [sflag:s15], $0x6000  }
0x198: {  	[sflag:s15] =	ssyncset.done $0x0  }
0x199: {  	[sflag:s15] =	ssyncadd.s32 $0xFFFFA000  }
0x19a: {  	_ =	swait.ge [sflag:s28], $0x6000  }
0x19b: {  	[sflag:s28] =	ssyncset.done $0x0  }
0x19c: {  	[sflag:s28] =	ssyncadd.s32 $0xFFFFA000  }
0x19d: {  	p0 =	sne.s32 s8, $0x1;
	_ =	swait.ge [sflag:s30], $0x6000  }
.Ltmp0:
0x19e: {  	[sflag:s30] =	ssyncset.done $0x0;
	(pc) =	sbr.rel @p0 .LBB2_1-.Ltmp0, $4  }
0x19f: {  	[sflag:s30] =	ssyncadd.s32 $0xFFFFA000  }
0x1a0: {  	_ =	swait.ge [sflag:s1], $0x6000  }
0x1a1: {  	[sflag:s1] =	ssyncset.done $0x0  }
0x1a2: {  	s8 =	sadd.s32 $0xFFFFFFFF, s8;
	[sflag:s1] =	ssyncadd.s32 $0xFFFFA000  }
0x1a3: {  	_ =	sfence.sel $0x180000  }
0x1a4: {  	[bflag:$0x0] =	sbarrier.arrive $0xFFFF  }
0x1a5: {  	_ =	strace $0x90000047  }
0x1a6: {  	s0 =	stileid.u32;
	[bflag:$0x2] =	sbarrier.arrive $0xFFFF  }
0x1a7: {  	p0 =	sne.s32 s0, $0x0;
	s0 =	rddreg [dreg:$0x3]  }
0x1a8: {  	s0 =	sadd.s32 @!p0 $0x100000, s0  }
0x1a9: {  	[sflag:s0] =	ssyncadd.tile.s32 @!p0 $0x1;
	_ =	shalt  }
.Lfunc_end2:
_tile_overlayer_lowered:
.L_overlay_start_2:
0x1aa: {  	(tag) =	ssettag $0x2  }
0x1ab: {  	s0 =	rddreg [dreg:$0x0];
	s2 =	stileid.u32  }
0x1ac: {  	s1 =	rddreg [dreg:$0x1];
	p0 =	sne.s32 s2, $0x0  }
0x1ad: {  	s3 =	rddreg [dreg:$0x2];
	[bflag:$0x3] =	sbarrier.arrive $0xFFFF;
	s2 =	simm.s32 @!p0 $0x1C0B  }
0x1ae: {  	[timem:s3], [sflag:s2] =	dma.local @!p0 [hbm:s0], s1  }
0x1af: {  	s0 =	simm.s32 @!p0 $0xB  }
0x1b0: {  	_ =	swait.ge @!p0 [sflag:s0], s1  }
0x1b1: {  	s1 =	ssub.s32 @!p0 $0x0, s1;
	[sflag:s0] =	ssyncset.done @!p0 $0x0  }
0x1b2: {  	[sflag:s0] =	ssyncadd.s32 @!p0 s1  }
0x1b3: {  	[bflag:$0x3] =	sbarrier.arrive $0xFFFF  }
0x1b4: {  	_ =	shalt  }

</sc_bundles>
